<compile_context>
chip_gen: v7x
topology: tpu7x:2x2x1
jax: 0.10.2.dev20260603
libtpu: 0.0.44.dev20260713+nightly
codegen_flags: <defaults>
</compile_context>

<pallas_src>
import jax
import jax.numpy as jnp
from jax import lax
from jax.experimental import pallas as pl
from jax.experimental.pallas import tpu as pltpu

B = 64
HW = 224
OHW = 112
S = OHW * OHW
C_IN = 3
E = 8
K = 2
N_CLASSES = 1000
G_CH = 16
E_CH = 32
KTAPS = 27


def _im2col_body(x_ref, p_ref):
    v = x_ref[0].astype(jnp.bfloat16)
    pieces = []
    for ky in range(3):
        for kx in range(3):
            py, dy = ky % 2, ky // 2
            px, dx = kx % 2, kx // 2
            for c in range(C_IN):
                pieces.append(v[(py * 2 + px) * C_IN + c,
                                dy:dy + OHW, dx:dx + OHW])
    p27 = jnp.stack(pieces, axis=0)
    p_ref[...] = p27.reshape(1, KTAPS, S)


def _router_body(p_ref, wg_ref, bg_ref, hg_ref):
    p = p_ref[0]
    h = jnp.dot(wg_ref[...], p, preferred_element_type=jnp.float32)
    h = jax.nn.relu(h + bg_ref[...])
    hg_ref[...] = (jnp.sum(h, axis=1, keepdims=True) / S)[None]


def _routing_body(hg_ref, wl_ref, bl_ref, probs_ref, idx_ref, pw_ref, aux_ref):
    hg = hg_ref[...]
    logits = jnp.dot(wl_ref[...], hg, preferred_element_type=jnp.float32)
    logits = logits + bl_ref[...]
    m = jnp.max(logits, axis=0, keepdims=True)
    ex = jnp.exp(logits - m)
    probs = ex / jnp.sum(ex, axis=0, keepdims=True)
    probs_ref[...] = probs.T
    iota = lax.broadcasted_iota(jnp.int32, (E, B), 0)
    p1 = jnp.max(probs, axis=0, keepdims=True)
    i1 = jnp.min(jnp.where(probs == p1, iota, E), axis=0, keepdims=True)
    masked = jnp.where(iota == i1, -1.0, probs)
    p2 = jnp.max(masked, axis=0, keepdims=True)
    i2 = jnp.min(jnp.where(masked == p2, iota, E), axis=0, keepdims=True)
    idx_ref[...] = jnp.concatenate([i1, i2], axis=0)
    pw_ref[...] = jnp.concatenate([p1, p2], axis=0)
    mp = jnp.mean(probs, axis=1, keepdims=True)
    d = mp - (1.0 / E)
    aux_ref[...] = jnp.mean(d * d, keepdims=True).reshape(1, 1)


def _expert_body(idx_ref, pw_ref, p_ref, w0_ref, w1_ref, bc0_ref, bc1_ref,
                 l0_ref, l1_ref, bl0_ref, bl1_ref, out_ref):
    b = pl.program_id(0)
    p = p_ref[0]
    p0 = pw_ref[0, b]
    p1 = pw_ref[1, b]

    w = jnp.concatenate([w0_ref[0], w1_ref[0]], axis=0)
    bc = jnp.concatenate([bc0_ref[0], bc1_ref[0]], axis=0)
    h = jnp.dot(w, p, preferred_element_type=jnp.float32)
    h = jax.nn.relu(h + bc)
    mcol = jnp.sum(h, axis=1, keepdims=True) / S
    scale = jnp.concatenate(
        [jnp.full((E_CH, 1), p0, jnp.float32), jnp.full((E_CH, 1), p1, jnp.float32)],
        axis=0)
    mrow = (mcol * scale).reshape(1, 2 * E_CH)
    lcat = jnp.concatenate([l0_ref[0], l1_ref[0]], axis=0)
    o = jnp.dot(mrow, lcat, preferred_element_type=jnp.float32)
    o = o + p0 * bl0_ref[0] + p1 * bl1_ref[0]
    out_ref[...] = o[None]


@jax.jit
def kernel(x, Wg_conv, bg_conv, Wg_lin, bg_lin, We_conv, be_conv, We_lin, be_lin):
    xpad = jnp.pad(x, ((0, 0), (0, 0), (0, 2), (0, 2)))
    xq = xpad.reshape(B, C_IN, 113, 2, 113, 2)
    xq = xq.transpose(0, 3, 5, 1, 2, 4).reshape(B, 12, 113, 113)
    p = pl.pallas_call(
        _im2col_body,
        grid=(B,),
        in_specs=[pl.BlockSpec((1, 12, 113, 113), lambda b: (b, 0, 0, 0))],
        out_specs=pl.BlockSpec((1, KTAPS, S), lambda b: (b, 0, 0)),
        out_shape=jax.ShapeDtypeStruct((B, KTAPS, S), jnp.bfloat16),
    )(xq)

    wg = Wg_conv.transpose(0, 2, 3, 1).reshape(G_CH, KTAPS).astype(jnp.bfloat16)
    hg = pl.pallas_call(
        _router_body,
        grid=(B,),
        in_specs=[
            pl.BlockSpec((1, KTAPS, S), lambda b: (b, 0, 0)),
            pl.BlockSpec((G_CH, KTAPS), lambda b: (0, 0)),
            pl.BlockSpec((G_CH, 1), lambda b: (0, 0)),
        ],
        out_specs=pl.BlockSpec((1, G_CH, 1), lambda b: (b, 0, 0)),
        out_shape=jax.ShapeDtypeStruct((B, G_CH, 1), jnp.float32),
    )(p, wg, bg_conv.reshape(G_CH, 1))
    hg = hg.reshape(B, G_CH).T

    probs, idx, pw, aux = pl.pallas_call(
        _routing_body,
        out_shape=(
            jax.ShapeDtypeStruct((B, E), jnp.float32),
            jax.ShapeDtypeStruct((K, B), jnp.int32),
            jax.ShapeDtypeStruct((K, B), jnp.float32),
            jax.ShapeDtypeStruct((1, 1), jnp.float32),
        ),
    )(hg, Wg_lin.T, bg_lin.reshape(E, 1))

    we = We_conv.transpose(0, 1, 3, 4, 2).reshape(E, E_CH, KTAPS).astype(jnp.bfloat16)
    wl = We_lin
    bc = be_conv.reshape(E, E_CH, 1)
    bl = be_lin.reshape(E, 1, N_CLASSES)

    grid_spec = pltpu.PrefetchScalarGridSpec(
        num_scalar_prefetch=2,
        grid=(B,),
        in_specs=[
            pl.BlockSpec((1, KTAPS, S), lambda b, idx_r, pw_r: (b, 0, 0)),
            pl.BlockSpec((1, E_CH, KTAPS), lambda b, idx_r, pw_r: (idx_r[0, b], 0, 0)),
            pl.BlockSpec((1, E_CH, KTAPS), lambda b, idx_r, pw_r: (idx_r[1, b], 0, 0)),
            pl.BlockSpec((1, E_CH, 1), lambda b, idx_r, pw_r: (idx_r[0, b], 0, 0)),
            pl.BlockSpec((1, E_CH, 1), lambda b, idx_r, pw_r: (idx_r[1, b], 0, 0)),
            pl.BlockSpec((1, E_CH, N_CLASSES), lambda b, idx_r, pw_r: (idx_r[0, b], 0, 0)),
            pl.BlockSpec((1, E_CH, N_CLASSES), lambda b, idx_r, pw_r: (idx_r[1, b], 0, 0)),
            pl.BlockSpec((1, 1, N_CLASSES), lambda b, idx_r, pw_r: (idx_r[0, b], 0, 0)),
            pl.BlockSpec((1, 1, N_CLASSES), lambda b, idx_r, pw_r: (idx_r[1, b], 0, 0)),
        ],
        out_specs=pl.BlockSpec((1, 1, N_CLASSES), lambda b, idx_r, pw_r: (b, 0, 0)),
    )
    final = pl.pallas_call(
        _expert_body,
        grid_spec=grid_spec,
        out_shape=jax.ShapeDtypeStruct((B, 1, N_CLASSES), jnp.float32),
    )(idx, pw, p, we, we, bc, bc, wl, wl, bl, bl)
    final = final.reshape(B, N_CLASSES)

    return final, probs, aux.reshape(())

# --- scband reference (transcript-rebuilt; emitter-appended) ---
"""Pipeline reference for scband-mo-emodel-74071005987145 (READ-ONLY COPY).

The authoritative reference and input builder live on the scoring server;
editing this copy changes nothing except your own understanding.
"""

import jax, jax.numpy as jnp
import numpy as np
from jax import lax

B = 64
HW = 224
C_IN = 3
E = 8
K = 2
N_CLASSES = 1000
G_CH = 16
E_CH = 32


def _conv_relu(x, W, b):
    h = lax.conv_general_dilated(x, W, window_strides=(2, 2), padding='SAME',
                                 dimension_numbers=('NCHW', 'OIHW', 'NCHW'))
    return jax.nn.relu(h + b[None, :, None, None])


def setup_inputs(seed: int = 0) -> dict:
    key = jax.random.key(seed)
    ks = jax.random.split(key, 8)
    x = jax.random.normal(ks[0], (B, C_IN, HW, HW), dtype=jnp.float32)
    Wg_conv = jax.random.normal(ks[1], (G_CH, C_IN, 3, 3), dtype=jnp.float32) * 0.1
    bg_conv = jnp.zeros((G_CH,), dtype=jnp.float32)
    Wg_lin = jax.random.normal(ks[2], (G_CH, E), dtype=jnp.float32) * 0.1
    bg_lin = jnp.zeros((E,), dtype=jnp.float32)
    We_conv = jax.random.normal(ks[3], (E, E_CH, C_IN, 3, 3), dtype=jnp.float32) * 0.1
    be_conv = jnp.zeros((E, E_CH), dtype=jnp.float32)
    We_lin = jax.random.normal(ks[4], (E, E_CH, N_CLASSES), dtype=jnp.float32) * 0.05
    be_lin = jnp.zeros((E, N_CLASSES), dtype=jnp.float32)
    return {"x": x, "Wg_conv": Wg_conv, "bg_conv": bg_conv, "Wg_lin": Wg_lin,
            "bg_lin": bg_lin, "We_conv": We_conv, "be_conv": be_conv,
            "We_lin": We_lin, "be_lin": be_lin}


def reference(x, Wg_conv, bg_conv, Wg_lin, bg_lin, We_conv, be_conv, We_lin, be_lin):
    # Router (GatingNetwork): conv -> relu -> global avg pool -> linear -> softmax
    hg = _conv_relu(x, Wg_conv, bg_conv).mean(axis=(2, 3))  # [B, G_CH]
    router_logits = hg @ Wg_lin + bg_lin                    # [B, E]
    router_probs = jax.nn.softmax(router_logits, axis=1)
    topk_prob, topk_idx = lax.top_k(router_probs, K)        # [B, K]

    # Experts: compute all expert outputs densely, then gather the top-k ones.
    # Mathematically identical to the torch hard-routing loop.
    outs = []
    for i in range(E):
        he = _conv_relu(x, We_conv[i], be_conv[i]).mean(axis=(2, 3))  # [B, E_CH]
        outs.append(he @ We_lin[i] + be_lin[i])                        # [B, N_CLASSES]
    expert_outs = jnp.stack(outs, axis=0)  # [E, B, N_CLASSES]

    bidx = jnp.arange(B)
    final_output = jnp.zeros((B, N_CLASSES), dtype=jnp.float32)
    for k in range(K):
        sel = expert_outs[topk_idx[:, k], bidx]  # [B, N_CLASSES]
        final_output = final_output + sel * topk_prob[:, k][:, None]

    mean_probs = router_probs.mean(axis=0)
    target_probs = jnp.ones_like(mean_probs) / E
    aux_loss = jnp.mean((mean_probs - target_probs) ** 2)
    return final_output, router_probs, aux_loss

if __name__ == "__main__":
    import jax
    _d = setup_inputs()
    print(jax.jit(kernel)(*tuple(_d.values())))

</pallas_src>

<mosaic_0001>
module attributes {stable_mosaic.version = 14 : i64} {
  func.func @_im2col_body(%arg0: i32, %arg1: memref<1x12x113x113xf32, #tpu.memory_space<vmem>>, %arg2: memref<1x27x12544xbf16, #tpu.memory_space<vmem>>) attributes {dimension_semantics = [#tpu.dimension_semantics<arbitrary>], iteration_bounds = array<i64: 64>, scalar_prefetch = 0 : i64, scratch_operands = 0 : i64, tpu.core_type = #tpu.core_type<tc>, window_params = [{transform_indices = @transform_0, window_bounds = array<i64: 1, 12, 113, 113>}, {transform_indices = @transform_1, window_bounds = array<i64: 1, 27, 12544>}]} {
    %get3A = arith.constant 0 : index
    %get3A_0 = arith.constant 0 : index
    %get3A_1 = arith.constant 0 : index
    %get3A_2 = arith.constant 0 : index
    %get3A_3 = vector.load %arg1[%get3A, %get3A_0, %get3A_1, %get3A_2] : memref<1x12x113x113xf32, #tpu.memory_space<vmem>>, vector<1x12x113x113xf32>
    %get3A_4 = vector.shape_cast %get3A_3 : vector<1x12x113x113xf32> to vector<12x113x113xf32>
    %convert_element_type3A = arith.truncf %get3A_4 : vector<12x113x113xf32> to vector<12x113x113xbf16>
    %slice3A = vector.extract_strided_slice %convert_element_type3A {offsets = [0, 0, 0], sizes = [1, 112, 112], strides = [1, 1, 1]} : vector<12x113x113xbf16> to vector<1x112x112xbf16>
    %squeeze3A = vector.shape_cast %slice3A : vector<1x112x112xbf16> to vector<112x112xbf16>
    %slice3A_5 = vector.extract_strided_slice %convert_element_type3A {offsets = [1, 0, 0], sizes = [1, 112, 112], strides = [1, 1, 1]} : vector<12x113x113xbf16> to vector<1x112x112xbf16>
    %squeeze3A_6 = vector.shape_cast %slice3A_5 : vector<1x112x112xbf16> to vector<112x112xbf16>
    %slice3A_7 = vector.extract_strided_slice %convert_element_type3A {offsets = [2, 0, 0], sizes = [1, 112, 112], strides = [1, 1, 1]} : vector<12x113x113xbf16> to vector<1x112x112xbf16>
    %squeeze3A_8 = vector.shape_cast %slice3A_7 : vector<1x112x112xbf16> to vector<112x112xbf16>
    %slice3A_9 = vector.extract_strided_slice %convert_element_type3A {offsets = [3, 0, 0], sizes = [1, 112, 112], strides = [1, 1, 1]} : vector<12x113x113xbf16> to vector<1x112x112xbf16>
    %squeeze3A_10 = vector.shape_cast %slice3A_9 : vector<1x112x112xbf16> to vector<112x112xbf16>
    %slice3A_11 = vector.extract_strided_slice %convert_element_type3A {offsets = [4, 0, 0], sizes = [1, 112, 112], strides = [1, 1, 1]} : vector<12x113x113xbf16> to vector<1x112x112xbf16>
    %squeeze3A_12 = vector.shape_cast %slice3A_11 : vector<1x112x112xbf16> to vector<112x112xbf16>
    %slice3A_13 = vector.extract_strided_slice %convert_element_type3A {offsets = [5, 0, 0], sizes = [1, 112, 112], strides = [1, 1, 1]} : vector<12x113x113xbf16> to vector<1x112x112xbf16>
    %squeeze3A_14 = vector.shape_cast %slice3A_13 : vector<1x112x112xbf16> to vector<112x112xbf16>
    %slice3A_15 = vector.extract_strided_slice %convert_element_type3A {offsets = [0, 0, 1], sizes = [1, 112, 112], strides = [1, 1, 1]} : vector<12x113x113xbf16> to vector<1x112x112xbf16>
    %squeeze3A_16 = vector.shape_cast %slice3A_15 : vector<1x112x112xbf16> to vector<112x112xbf16>
    %slice3A_17 = vector.extract_strided_slice %convert_element_type3A {offsets = [1, 0, 1], sizes = [1, 112, 112], strides = [1, 1, 1]} : vector<12x113x113xbf16> to vector<1x112x112xbf16>
    %squeeze3A_18 = vector.shape_cast %slice3A_17 : vector<1x112x112xbf16> to vector<112x112xbf16>
    %slice3A_19 = vector.extract_strided_slice %convert_element_type3A {offsets = [2, 0, 1], sizes = [1, 112, 112], strides = [1, 1, 1]} : vector<12x113x113xbf16> to vector<1x112x112xbf16>
    %squeeze3A_20 = vector.shape_cast %slice3A_19 : vector<1x112x112xbf16> to vector<112x112xbf16>
    %slice3A_21 = vector.extract_strided_slice %convert_element_type3A {offsets = [6, 0, 0], sizes = [1, 112, 112], strides = [1, 1, 1]} : vector<12x113x113xbf16> to vector<1x112x112xbf16>
    %squeeze3A_22 = vector.shape_cast %slice3A_21 : vector<1x112x112xbf16> to vector<112x112xbf16>
    %slice3A_23 = vector.extract_strided_slice %convert_element_type3A {offsets = [7, 0, 0], sizes = [1, 112, 112], strides = [1, 1, 1]} : vector<12x113x113xbf16> to vector<1x112x112xbf16>
    %squeeze3A_24 = vector.shape_cast %slice3A_23 : vector<1x112x112xbf16> to vector<112x112xbf16>
    %slice3A_25 = vector.extract_strided_slice %convert_element_type3A {offsets = [8, 0, 0], sizes = [1, 112, 112], strides = [1, 1, 1]} : vector<12x113x113xbf16> to vector<1x112x112xbf16>
    %squeeze3A_26 = vector.shape_cast %slice3A_25 : vector<1x112x112xbf16> to vector<112x112xbf16>
    %slice3A_27 = vector.extract_strided_slice %convert_element_type3A {offsets = [9, 0, 0], sizes = [1, 112, 112], strides = [1, 1, 1]} : vector<12x113x113xbf16> to vector<1x112x112xbf16>
    %squeeze3A_28 = vector.shape_cast %slice3A_27 : vector<1x112x112xbf16> to vector<112x112xbf16>
    %slice3A_29 = vector.extract_strided_slice %convert_element_type3A {offsets = [10, 0, 0], sizes = [1, 112, 112], strides = [1, 1, 1]} : vector<12x113x113xbf16> to vector<1x112x112xbf16>
    %squeeze3A_30 = vector.shape_cast %slice3A_29 : vector<1x112x112xbf16> to vector<112x112xbf16>
    %slice3A_31 = vector.extract_strided_slice %convert_element_type3A {offsets = [11, 0, 0], sizes = [1, 112, 112], strides = [1, 1, 1]} : vector<12x113x113xbf16> to vector<1x112x112xbf16>
    %squeeze3A_32 = vector.shape_cast %slice3A_31 : vector<1x112x112xbf16> to vector<112x112xbf16>
    %slice3A_33 = vector.extract_strided_slice %convert_element_type3A {offsets = [6, 0, 1], sizes = [1, 112, 112], strides = [1, 1, 1]} : vector<12x113x113xbf16> to vector<1x112x112xbf16>
    %squeeze3A_34 = vector.shape_cast %slice3A_33 : vector<1x112x112xbf16> to vector<112x112xbf16>
    %slice3A_35 = vector.extract_strided_slice %convert_element_type3A {offsets = [7, 0, 1], sizes = [1, 112, 112], strides = [1, 1, 1]} : vector<12x113x113xbf16> to vector<1x112x112xbf16>
    %squeeze3A_36 = vector.shape_cast %slice3A_35 : vector<1x112x112xbf16> to vector<112x112xbf16>
    %slice3A_37 = vector.extract_strided_slice %convert_element_type3A {offsets = [8, 0, 1], sizes = [1, 112, 112], strides = [1, 1, 1]} : vector<12x113x113xbf16> to vector<1x112x112xbf16>
    %squeeze3A_38 = vector.shape_cast %slice3A_37 : vector<1x112x112xbf16> to vector<112x112xbf16>
    %slice3A_39 = vector.extract_strided_slice %convert_element_type3A {offsets = [0, 1, 0], sizes = [1, 112, 112], strides = [1, 1, 1]} : vector<12x113x113xbf16> to vector<1x112x112xbf16>
    %squeeze3A_40 = vector.shape_cast %slice3A_39 : vector<1x112x112xbf16> to vector<112x112xbf16>
    %slice3A_41 = vector.extract_strided_slice %convert_element_type3A {offsets = [1, 1, 0], sizes = [1, 112, 112], strides = [1, 1, 1]} : vector<12x113x113xbf16> to vector<1x112x112xbf16>
    %squeeze3A_42 = vector.shape_cast %slice3A_41 : vector<1x112x112xbf16> to vector<112x112xbf16>
    %slice3A_43 = vector.extract_strided_slice %convert_element_type3A {offsets = [2, 1, 0], sizes = [1, 112, 112], strides = [1, 1, 1]} : vector<12x113x113xbf16> to vector<1x112x112xbf16>
    %squeeze3A_44 = vector.shape_cast %slice3A_43 : vector<1x112x112xbf16> to vector<112x112xbf16>
    %slice3A_45 = vector.extract_strided_slice %convert_element_type3A {offsets = [3, 1, 0], sizes = [1, 112, 112], strides = [1, 1, 1]} : vector<12x113x113xbf16> to vector<1x112x112xbf16>
    %squeeze3A_46 = vector.shape_cast %slice3A_45 : vector<1x112x112xbf16> to vector<112x112xbf16>
    %slice3A_47 = vector.extract_strided_slice %convert_element_type3A {offsets = [4, 1, 0], sizes = [1, 112, 112], strides = [1, 1, 1]} : vector<12x113x113xbf16> to vector<1x112x112xbf16>
    %squeeze3A_48 = vector.shape_cast %slice3A_47 : vector<1x112x112xbf16> to vector<112x112xbf16>
    %slice3A_49 = vector.extract_strided_slice %convert_element_type3A {offsets = [5, 1, 0], sizes = [1, 112, 112], strides = [1, 1, 1]} : vector<12x113x113xbf16> to vector<1x112x112xbf16>
    %squeeze3A_50 = vector.shape_cast %slice3A_49 : vector<1x112x112xbf16> to vector<112x112xbf16>
    %slice3A_51 = vector.extract_strided_slice %convert_element_type3A {offsets = [0, 1, 1], sizes = [1, 112, 112], strides = [1, 1, 1]} : vector<12x113x113xbf16> to vector<1x112x112xbf16>
    %squeeze3A_52 = vector.shape_cast %slice3A_51 : vector<1x112x112xbf16> to vector<112x112xbf16>
    %slice3A_53 = vector.extract_strided_slice %convert_element_type3A {offsets = [1, 1, 1], sizes = [1, 112, 112], strides = [1, 1, 1]} : vector<12x113x113xbf16> to vector<1x112x112xbf16>
    %squeeze3A_54 = vector.shape_cast %slice3A_53 : vector<1x112x112xbf16> to vector<112x112xbf16>
    %slice3A_55 = vector.extract_strided_slice %convert_element_type3A {offsets = [2, 1, 1], sizes = [1, 112, 112], strides = [1, 1, 1]} : vector<12x113x113xbf16> to vector<1x112x112xbf16>
    %squeeze3A_56 = vector.shape_cast %slice3A_55 : vector<1x112x112xbf16> to vector<112x112xbf16>
    %stack3A = vector.shape_cast %squeeze3A : vector<112x112xbf16> to vector<1x112x112xbf16>
    %stack3A_57 = vector.shape_cast %squeeze3A_6 : vector<112x112xbf16> to vector<1x112x112xbf16>
    %stack3A_58 = vector.shape_cast %squeeze3A_8 : vector<112x112xbf16> to vector<1x112x112xbf16>
    %stack3A_59 = vector.shape_cast %squeeze3A_10 : vector<112x112xbf16> to vector<1x112x112xbf16>
    %stack3A_60 = vector.shape_cast %squeeze3A_12 : vector<112x112xbf16> to vector<1x112x112xbf16>
    %stack3A_61 = vector.shape_cast %squeeze3A_14 : vector<112x112xbf16> to vector<1x112x112xbf16>
    %stack3A_62 = vector.shape_cast %squeeze3A_16 : vector<112x112xbf16> to vector<1x112x112xbf16>
    %stack3A_63 = vector.shape_cast %squeeze3A_18 : vector<112x112xbf16> to vector<1x112x112xbf16>
    %stack3A_64 = vector.shape_cast %squeeze3A_20 : vector<112x112xbf16> to vector<1x112x112xbf16>
    %stack3A_65 = vector.shape_cast %squeeze3A_22 : vector<112x112xbf16> to vector<1x112x112xbf16>
    %stack3A_66 = vector.shape_cast %squeeze3A_24 : vector<112x112xbf16> to vector<1x112x112xbf16>
    %stack3A_67 = vector.shape_cast %squeeze3A_26 : vector<112x112xbf16> to vector<1x112x112xbf16>
    %stack3A_68 = vector.shape_cast %squeeze3A_28 : vector<112x112xbf16> to vector<1x112x112xbf16>
    %stack3A_69 = vector.shape_cast %squeeze3A_30 : vector<112x112xbf16> to vector<1x112x112xbf16>
    %stack3A_70 = vector.shape_cast %squeeze3A_32 : vector<112x112xbf16> to vector<1x112x112xbf16>
    %stack3A_71 = vector.shape_cast %squeeze3A_34 : vector<112x112xbf16> to vector<1x112x112xbf16>
    %stack3A_72 = vector.shape_cast %squeeze3A_36 : vector<112x112xbf16> to vector<1x112x112xbf16>
    %stack3A_73 = vector.shape_cast %squeeze3A_38 : vector<112x112xbf16> to vector<1x112x112xbf16>
    %stack3A_74 = vector.shape_cast %squeeze3A_40 : vector<112x112xbf16> to vector<1x112x112xbf16>
    %stack3A_75 = vector.shape_cast %squeeze3A_42 : vector<112x112xbf16> to vector<1x112x112xbf16>
    %stack3A_76 = vector.shape_cast %squeeze3A_44 : vector<112x112xbf16> to vector<1x112x112xbf16>
    %stack3A_77 = vector.shape_cast %squeeze3A_46 : vector<112x112xbf16> to vector<1x112x112xbf16>
    %stack3A_78 = vector.shape_cast %squeeze3A_48 : vector<112x112xbf16> to vector<1x112x112xbf16>
    %stack3A_79 = vector.shape_cast %squeeze3A_50 : vector<112x112xbf16> to vector<1x112x112xbf16>
    %stack3A_80 = vector.shape_cast %squeeze3A_52 : vector<112x112xbf16> to vector<1x112x112xbf16>
    %stack3A_81 = vector.shape_cast %squeeze3A_54 : vector<112x112xbf16> to vector<1x112x112xbf16>
    %stack3A_82 = vector.shape_cast %squeeze3A_56 : vector<112x112xbf16> to vector<1x112x112xbf16>
    %stack3A_83 = tpu.concatenate %stack3A, %stack3A_57, %stack3A_58, %stack3A_59, %stack3A_60, %stack3A_61, %stack3A_62, %stack3A_63, %stack3A_64, %stack3A_65, %stack3A_66, %stack3A_67, %stack3A_68, %stack3A_69, %stack3A_70, %stack3A_71, %stack3A_72, %stack3A_73, %stack3A_74, %stack3A_75, %stack3A_76, %stack3A_77, %stack3A_78, %stack3A_79, %stack3A_80, %stack3A_81, %stack3A_82 in 0 : vector<1x112x112xbf16>, vector<1x112x112xbf16>, vector<1x112x112xbf16>, vector<1x112x112xbf16>, vector<1x112x112xbf16>, vector<1x112x112xbf16>, vector<1x112x112xbf16>, vector<1x112x112xbf16>, vector<1x112x112xbf16>, vector<1x112x112xbf16>, vector<1x112x112xbf16>, vector<1x112x112xbf16>, vector<1x112x112xbf16>, vector<1x112x112xbf16>, vector<1x112x112xbf16>, vector<1x112x112xbf16>, vector<1x112x112xbf16>, vector<1x112x112xbf16>, vector<1x112x112xbf16>, vector<1x112x112xbf16>, vector<1x112x112xbf16>, vector<1x112x112xbf16>, vector<1x112x112xbf16>, vector<1x112x112xbf16>, vector<1x112x112xbf16>, vector<1x112x112xbf16>, vector<1x112x112xbf16> -> vector<27x112x112xbf16>
    %reshape3A = vector.shape_cast %stack3A_83 : vector<27x112x112xbf16> to vector<1x27x12544xbf16>
    %swap3A = arith.constant 0 : index
    %swap3A_84 = arith.constant 0 : index
    %swap3A_85 = arith.constant 0 : index
    %swap3A_86 = vector.load %arg2[%swap3A, %swap3A_84, %swap3A_85] : memref<1x27x12544xbf16, #tpu.memory_space<vmem>>, vector<1x27x12544xbf16>
    tpu.vector_store %arg2[%swap3A, %swap3A_84, %swap3A_85], %reshape3A {strides = array<i32>} : memref<1x27x12544xbf16, #tpu.memory_space<vmem>>, vector<1x27x12544xbf16>,
    return
  }
  func.func @transform_0(%arg0: i32) -> (i32, i32, i32, i32) {
    %c0_i32 = arith.constant 0 : i32
    %c0_i32_0 = arith.constant 0 : i32
    %c0_i32_1 = arith.constant 0 : i32
    %c0_i32_2 = arith.constant 0 : i32
    return %arg0, %c0_i32, %c0_i32_0, %c0_i32_1 : i32, i32, i32, i32
  }
  func.func @transform_1(%arg0: i32) -> (i32, i32, i32) {
    %c0_i32 = arith.constant 0 : i32
    %c0_i32_0 = arith.constant 0 : i32
    %c0_i32_1 = arith.constant 0 : i32
    return %arg0, %c0_i32, %c0_i32_0 : i32, i32, i32
  }
}

module attributes {stable_mosaic.version = 14 : i64} {
  func.func @_router_body(%arg0: i32, %arg1: memref<1x27x12544xbf16, #tpu.memory_space<vmem>>, %arg2: memref<16x27xbf16, #tpu.memory_space<vmem>>, %arg3: memref<16x1xf32, #tpu.memory_space<vmem>>, %arg4: memref<1x16x1xf32, #tpu.memory_space<vmem>>) attributes {dimension_semantics = [#tpu.dimension_semantics<arbitrary>], iteration_bounds = array<i64: 64>, scalar_prefetch = 0 : i64, scratch_operands = 0 : i64, tpu.core_type = #tpu.core_type<tc>, window_params = [{transform_indices = @transform_0, window_bounds = array<i64: 1, 27, 12544>}, {pipeline_mode = #tpu.pipeline_mode<synchronous>, transform_indices = @transform_1, window_bounds = array<i64: 16, 27>}, {pipeline_mode = #tpu.pipeline_mode<synchronous>, transform_indices = @transform_2, window_bounds = array<i64: 16, 1>}, {transform_indices = @transform_3, window_bounds = array<i64: 1, 16, 1>}]} {
    %get3A = arith.constant 0 : index
    %get3A_0 = arith.constant 0 : index
    %get3A_1 = arith.constant 0 : index
    %get3A_2 = vector.load %arg1[%get3A, %get3A_0, %get3A_1] : memref<1x27x12544xbf16, #tpu.memory_space<vmem>>, vector<1x27x12544xbf16>
    %get3A_3 = vector.shape_cast %get3A_2 : vector<1x27x12544xbf16> to vector<27x12544xbf16>
    %get3A_4 = arith.constant 0 : index
    %get3A_5 = arith.constant 0 : index
    %get3A_6 = vector.load %arg2[%get3A_4, %get3A_5] : memref<16x27xbf16, #tpu.memory_space<vmem>>, vector<16x27xbf16>
    %dot_general3A = arith.constant dense<0.000000e+00> : vector<16x12544xf32>
    %dot_general3A_7 = tpu.matmul %get3A_6, %get3A_3, %dot_general3A {dimension_numbers = #tpu.dot_dimension_numbers<[1], [0], [0], [1], [0, 0, 1, 1], [], []>, transpose_lhs_hint = false} : vector<16x27xbf16>, vector<27x12544xbf16>, vector<16x12544xf32> -> vector<16x12544xf32>
    %get3A_8 = arith.constant 0 : index
    %get3A_9 = arith.constant 0 : index
    %get3A_10 = vector.load %arg3[%get3A_8, %get3A_9] : memref<16x1xf32, #tpu.memory_space<vmem>>, vector<16x1xf32>
    %add3A = vector.broadcast %get3A_10 : vector<16x1xf32> to vector<16x12544xf32>
    %add3A_11 = arith.addf %dot_general3A_7, %add3A : vector<16x12544xf32>
    %max3A = arith.constant 0.000000e+00 : f32
    %max3A_12 = vector.broadcast %max3A : f32 to vector<16x12544xf32>
    %max3A_13 = arith.maximumf %add3A_11, %max3A_12 : vector<16x12544xf32>
    %reduce_sum3A = arith.constant dense<0.000000e+00> : vector<16xf32>
    %reduce_sum3A_14 = vector.multi_reduction <add>, %max3A_13, %reduce_sum3A [1] : vector<16x12544xf32> to vector<16xf32>
    %broadcast_in_dim3A = vector.shape_cast %reduce_sum3A_14 : vector<16xf32> to vector<16x1xf32>
    %div3A = arith.constant 1.254400e+04 : f32
    %div3A_15 = vector.broadcast %div3A : f32 to vector<16x1xf32>
    %div3A_16 = arith.divf %broadcast_in_dim3A, %div3A_15 : vector<16x1xf32>
    %broadcast_in_dim3A_17 = vector.shape_cast %div3A_16 : vector<16x1xf32> to vector<1x16x1xf32>
    %swap3A = arith.constant 0 : index
    %swap3A_18 = arith.constant 0 : index
    %swap3A_19 = arith.constant 0 : index
    %swap3A_20 = vector.load %arg4[%swap3A, %swap3A_18, %swap3A_19] : memref<1x16x1xf32, #tpu.memory_space<vmem>>, vector<1x16x1xf32>
    tpu.vector_store %arg4[%swap3A, %swap3A_18, %swap3A_19], %broadcast_in_dim3A_17 {strides = array<i32>} : memref<1x16x1xf32, #tpu.memory_space<vmem>>, vector<1x16x1xf32>,
    return
  }
  func.func @transform_0(%arg0: i32) -> (i32, i32, i32) {
    %c0_i32 = arith.constant 0 : i32
    %c0_i32_0 = arith.constant 0 : i32
    %c0_i32_1 = arith.constant 0 : i32
    return %arg0, %c0_i32, %c0_i32_0 : i32, i32, i32
  }
  func.func @transform_1(%arg0: i32) -> (i32, i32) {
    %c0_i32 = arith.constant 0 : i32
    %c0_i32_0 = arith.constant 0 : i32
    %c0_i32_1 = arith.constant 0 : i32
    return %c0_i32, %c0_i32_0 : i32, i32
  }
  func.func @transform_2(%arg0: i32) -> (i32, i32) {
    %c0_i32 = arith.constant 0 : i32
    %c0_i32_0 = arith.constant 0 : i32
    %c0_i32_1 = arith.constant 0 : i32
    return %c0_i32, %c0_i32_0 : i32, i32
  }
  func.func @transform_3(%arg0: i32) -> (i32, i32, i32) {
    %c0_i32 = arith.constant 0 : i32
    %c0_i32_0 = arith.constant 0 : i32
    %c0_i32_1 = arith.constant 0 : i32
    return %arg0, %c0_i32, %c0_i32_0 : i32, i32, i32
  }
}

module attributes {stable_mosaic.version = 14 : i64} {
  func.func @_routing_body(%arg0: memref<16x64xf32, #tpu.memory_space<vmem>>, %arg1: memref<8x16xf32, #tpu.memory_space<vmem>>, %arg2: memref<8x1xf32, #tpu.memory_space<vmem>>, %arg3: memref<64x8xf32, #tpu.memory_space<vmem>>, %arg4: memref<2x64xi32, #tpu.memory_space<vmem>>, %arg5: memref<2x64xf32, #tpu.memory_space<vmem>>, %arg6: memref<1x1xf32, #tpu.memory_space<vmem>>) attributes {dimension_semantics = [], scalar_prefetch = 0 : i64, scratch_operands = 0 : i64, tpu.core_type = #tpu.core_type<tc>} {
    %get3A = arith.constant 0 : index
    %get3A_0 = arith.constant 0 : index
    %get3A_1 = vector.load %arg0[%get3A, %get3A_0] : memref<16x64xf32, #tpu.memory_space<vmem>>, vector<16x64xf32>
    %get3A_2 = arith.constant 0 : index
    %get3A_3 = arith.constant 0 : index
    %get3A_4 = vector.load %arg1[%get3A_2, %get3A_3] : memref<8x16xf32, #tpu.memory_space<vmem>>, vector<8x16xf32>
    %dot_general3A = arith.constant dense<0.000000e+00> : vector<8x64xf32>
    %dot_general3A_5 = tpu.matmul %get3A_4, %get3A_1, %dot_general3A {dimension_numbers = #tpu.dot_dimension_numbers<[1], [0], [0], [1], [0, 0, 1, 1], [], []>, transpose_lhs_hint = false} : vector<8x16xf32>, vector<16x64xf32>, vector<8x64xf32> -> vector<8x64xf32>
    %get3A_6 = arith.constant 0 : index
    %get3A_7 = arith.constant 0 : index
    %get3A_8 = vector.load %arg2[%get3A_6, %get3A_7] : memref<8x1xf32, #tpu.memory_space<vmem>>, vector<8x1xf32>
    %add3A = vector.broadcast %get3A_8 : vector<8x1xf32> to vector<8x64xf32>
    %add3A_9 = arith.addf %dot_general3A_5, %add3A : vector<8x64xf32>
    %reduce_max3A = arith.constant dense<0xFF800000> : vector<64xf32>
    %reduce_max3A_10 = vector.multi_reduction <maximumf>, %add3A_9, %reduce_max3A [0] : vector<8x64xf32> to vector<64xf32>
    %broadcast_in_dim3A = vector.shape_cast %reduce_max3A_10 : vector<64xf32> to vector<1x64xf32>
    %sub3A = vector.broadcast %broadcast_in_dim3A : vector<1x64xf32> to vector<8x64xf32>
    %sub3A_11 = arith.subf %add3A_9, %sub3A : vector<8x64xf32>
    %exp3A = math.exp %sub3A_11 : vector<8x64xf32>
    %reduce_sum3A = arith.constant dense<0.000000e+00> : vector<64xf32>
    %reduce_sum3A_12 = vector.multi_reduction <add>, %exp3A, %reduce_sum3A [0] : vector<8x64xf32> to vector<64xf32>
    %broadcast_in_dim3A_13 = vector.shape_cast %reduce_sum3A_12 : vector<64xf32> to vector<1x64xf32>
    %div3A = vector.broadcast %broadcast_in_dim3A_13 : vector<1x64xf32> to vector<8x64xf32>
    %div3A_14 = arith.divf %exp3A, %div3A : vector<8x64xf32>
    %transpose3A = tpu.transpose %div3A_14, [1, 0] : vector<8x64xf32> -> vector<64x8xf32>
    %swap3A = arith.constant 0 : index
    %swap3A_15 = arith.constant 0 : index
    %swap3A_16 = vector.load %arg3[%swap3A, %swap3A_15] : memref<64x8xf32, #tpu.memory_space<vmem>>, vector<64x8xf32>
    tpu.vector_store %arg3[%swap3A, %swap3A_15], %transpose3A {strides = array<i32>} : memref<64x8xf32, #tpu.memory_space<vmem>>, vector<64x8xf32>,
    %iota3A = tpu.iota {dimensions = array<i32: 0>} : vector<8x64xi32>
    %reduce_max3A_17 = arith.constant dense<0xFF800000> : vector<64xf32>
    %reduce_max3A_18 = vector.multi_reduction <maximumf>, %div3A_14, %reduce_max3A_17 [0] : vector<8x64xf32> to vector<64xf32>
    %broadcast_in_dim3A_19 = vector.shape_cast %reduce_max3A_18 : vector<64xf32> to vector<1x64xf32>
    %eq3A = vector.broadcast %broadcast_in_dim3A_19 : vector<1x64xf32> to vector<8x64xf32>
    %eq3A_20 = arith.cmpf oeq, %div3A_14, %eq3A : vector<8x64xf32>
    %jit3A = arith.constant 8 : i32
    %broadcast_in_dim3A_21 = vector.broadcast %jit3A : i32 to vector<8x64xi32>
    %select_n3A = arith.select %eq3A_20, %iota3A, %broadcast_in_dim3A_21 : vector<8x64xi1>, vector<8x64xi32>
    %reduce_min3A = arith.constant dense<2147483647> : vector<64xi32>
    %reduce_min3A_22 = vector.multi_reduction <minsi>, %select_n3A, %reduce_min3A [0] : vector<8x64xi32> to vector<64xi32>
    %broadcast_in_dim3A_23 = vector.shape_cast %reduce_min3A_22 : vector<64xi32> to vector<1x64xi32>
    %eq3A_24 = vector.broadcast %broadcast_in_dim3A_23 : vector<1x64xi32> to vector<8x64xi32>
    %eq3A_25 = arith.cmpi eq, %iota3A, %eq3A_24 : vector<8x64xi32>
    %jit3A_26 = arith.constant -1.000000e+00 : f32
    %broadcast_in_dim3A_27 = vector.broadcast %jit3A_26 : f32 to vector<8x64xf32>
    %select_n3A_28 = arith.select %eq3A_25, %broadcast_in_dim3A_27, %div3A_14 : vector<8x64xi1>, vector<8x64xf32>
    %reduce_max3A_29 = arith.constant dense<0xFF800000> : vector<64xf32>
    %reduce_max3A_30 = vector.multi_reduction <maximumf>, %select_n3A_28, %reduce_max3A_29 [0] : vector<8x64xf32> to vector<64xf32>
    %broadcast_in_dim3A_31 = vector.shape_cast %reduce_max3A_30 : vector<64xf32> to vector<1x64xf32>
    %eq3A_32 = vector.broadcast %broadcast_in_dim3A_31 : vector<1x64xf32> to vector<8x64xf32>
    %eq3A_33 = arith.cmpf oeq, %select_n3A_28, %eq3A_32 : vector<8x64xf32>
    %jit3A_34 = arith.constant 8 : i32
    %broadcast_in_dim3A_35 = vector.broadcast %jit3A_34 : i32 to vector<8x64xi32>
    %select_n3A_36 = arith.select %eq3A_33, %iota3A, %broadcast_in_dim3A_35 : vector<8x64xi1>, vector<8x64xi32>
    %reduce_min3A_37 = arith.constant dense<2147483647> : vector<64xi32>
    %reduce_min3A_38 = vector.multi_reduction <minsi>, %select_n3A_36, %reduce_min3A_37 [0] : vector<8x64xi32> to vector<64xi32>
    %broadcast_in_dim3A_39 = vector.shape_cast %reduce_min3A_38 : vector<64xi32> to vector<1x64xi32>
    %concatenate3A = tpu.concatenate %broadcast_in_dim3A_23, %broadcast_in_dim3A_39 in 0 : vector<1x64xi32>, vector<1x64xi32> -> vector<2x64xi32>
    %swap3A_40 = arith.constant 0 : index
    %swap3A_41 = arith.constant 0 : index
    %swap3A_42 = vector.load %arg4[%swap3A_40, %swap3A_41] : memref<2x64xi32, #tpu.memory_space<vmem>>, vector<2x64xi32>
    tpu.vector_store %arg4[%swap3A_40, %swap3A_41], %concatenate3A {strides = array<i32>} : memref<2x64xi32, #tpu.memory_space<vmem>>, vector<2x64xi32>,
    %concatenate3A_43 = tpu.concatenate %broadcast_in_dim3A_19, %broadcast_in_dim3A_31 in 0 : vector<1x64xf32>, vector<1x64xf32> -> vector<2x64xf32>
    %swap3A_44 = arith.constant 0 : index
    %swap3A_45 = arith.constant 0 : index
    %swap3A_46 = vector.load %arg5[%swap3A_44, %swap3A_45] : memref<2x64xf32, #tpu.memory_space<vmem>>, vector<2x64xf32>
    tpu.vector_store %arg5[%swap3A_44, %swap3A_45], %concatenate3A_43 {strides = array<i32>} : memref<2x64xf32, #tpu.memory_space<vmem>>, vector<2x64xf32>,
    %reduce_sum3A_47 = arith.constant dense<0.000000e+00> : vector<8xf32>
    %reduce_sum3A_48 = vector.multi_reduction <add>, %div3A_14, %reduce_sum3A_47 [1] : vector<8x64xf32> to vector<8xf32>
    %broadcast_in_dim3A_49 = vector.shape_cast %reduce_sum3A_48 : vector<8xf32> to vector<8x1xf32>
    %div3A_50 = arith.constant 6.400000e+01 : f32
    %div3A_51 = vector.broadcast %div3A_50 : f32 to vector<8x1xf32>
    %div3A_52 = arith.divf %broadcast_in_dim3A_49, %div3A_51 : vector<8x1xf32>
    %sub3A_53 = arith.constant 1.250000e-01 : f32
    %sub3A_54 = vector.broadcast %sub3A_53 : f32 to vector<8x1xf32>
    %sub3A_55 = arith.subf %div3A_52, %sub3A_54 : vector<8x1xf32>
    %mul3A = arith.mulf %sub3A_55, %sub3A_55 : vector<8x1xf32>
    %reduce_sum3A_56 = vector.shape_cast %mul3A : vector<8x1xf32> to vector<1x8x1xf32>
    %reduce_sum3A_57 = arith.constant dense<0.000000e+00> : vector<1xf32>
    %reduce_sum3A_58 = vector.multi_reduction <add>, %reduce_sum3A_56, %reduce_sum3A_57 [1, 2] : vector<1x8x1xf32> to vector<1xf32>
    %reduce_sum3A_59 = vector.shape_cast %reduce_sum3A_58 : vector<1xf32> to vector<1x1x1xf32>
    %reduce_sum3A_60 = vector.extract %reduce_sum3A_59[0, 0, 0] : f32 from vector<1x1x1xf32>
    %broadcast_in_dim3A_61 = vector.broadcast %reduce_sum3A_60 : f32 to vector<1x1xf32>
    %div3A_62 = arith.constant 8.000000e+00 : f32
    %div3A_63 = vector.broadcast %div3A_62 : f32 to vector<1x1xf32>
    %div3A_64 = arith.divf %broadcast_in_dim3A_61, %div3A_63 : vector<1x1xf32>
    %swap3A_65 = arith.constant 0 : index
    %swap3A_66 = arith.constant 0 : index
    %swap3A_67 = vector.load %arg6[%swap3A_65, %swap3A_66] : memref<1x1xf32, #tpu.memory_space<vmem>>, vector<1x1xf32>
    tpu.vector_store %arg6[%swap3A_65, %swap3A_66], %div3A_64 {strides = array<i32>} : memref<1x1xf32, #tpu.memory_space<vmem>>, vector<1x1xf32>,
    return
  }
}

module attributes {stable_mosaic.version = 14 : i64} {
  func.func @_expert_body(%arg0: i32, %arg1: memref<2x64xi32, #tpu.memory_space<smem>>, %arg2: memref<2x64xf32, #tpu.memory_space<smem>>, %arg3: memref<1x27x12544xbf16, #tpu.memory_space<vmem>>, %arg4: memref<1x32x27xbf16, #tpu.memory_space<vmem>>, %arg5: memref<1x32x27xbf16, #tpu.memory_space<vmem>>, %arg6: memref<1x32x1xf32, #tpu.memory_space<vmem>>, %arg7: memref<1x32x1xf32, #tpu.memory_space<vmem>>, %arg8: memref<1x32x1000xf32, #tpu.memory_space<vmem>>, %arg9: memref<1x32x1000xf32, #tpu.memory_space<vmem>>, %arg10: memref<1x1x1000xf32, #tpu.memory_space<vmem>>, %arg11: memref<1x1x1000xf32, #tpu.memory_space<vmem>>, %arg12: memref<1x1x1000xf32, #tpu.memory_space<vmem>>) attributes {dimension_semantics = [#tpu.dimension_semantics<arbitrary>], iteration_bounds = array<i64: 64>, scalar_prefetch = 2 : i64, scratch_operands = 0 : i64, tpu.core_type = #tpu.core_type<tc>, window_params = [{transform_indices = @transform_0, window_bounds = array<i64: 1, 27, 12544>}, {transform_indices = @transform_1, window_bounds = array<i64: 1, 32, 27>}, {transform_indices = @transform_2, window_bounds = array<i64: 1, 32, 27>}, {transform_indices = @transform_3, window_bounds = array<i64: 1, 32, 1>}, {transform_indices = @transform_4, window_bounds = array<i64: 1, 32, 1>}, {transform_indices = @transform_5, window_bounds = array<i64: 1, 32, 1000>}, {transform_indices = @transform_6, window_bounds = array<i64: 1, 32, 1000>}, {transform_indices = @transform_7, window_bounds = array<i64: 1, 1, 1000>}, {transform_indices = @transform_8, window_bounds = array<i64: 1, 1, 1000>}, {transform_indices = @transform_9, window_bounds = array<i64: 1, 1, 1000>}]} {
    %get3A = arith.constant 0 : index
    %get3A_0 = arith.constant 0 : index
    %get3A_1 = arith.constant 0 : index
    %get3A_2 = vector.load %arg3[%get3A, %get3A_0, %get3A_1] : memref<1x27x12544xbf16, #tpu.memory_space<vmem>>, vector<1x27x12544xbf16>
    %get3A_3 = vector.shape_cast %get3A_2 : vector<1x27x12544xbf16> to vector<27x12544xbf16>
    %get3A_4 = arith.constant 0 : index
    %get3A_5 = arith.index_cast %arg0 : i32 to index
    %get3A_6 = memref.load %arg2[%get3A_4, %get3A_5] : memref<2x64xf32, #tpu.memory_space<smem>>
    %get3A_7 = arith.constant 1 : index
    %get3A_8 = arith.index_cast %arg0 : i32 to index
    %get3A_9 = memref.load %arg2[%get3A_7, %get3A_8] : memref<2x64xf32, #tpu.memory_space<smem>>
    %get3A_10 = arith.constant 0 : index
    %get3A_11 = arith.constant 0 : index
    %get3A_12 = arith.constant 0 : index
    %get3A_13 = vector.load %arg4[%get3A_10, %get3A_11, %get3A_12] : memref<1x32x27xbf16, #tpu.memory_space<vmem>>, vector<1x32x27xbf16>
    %get3A_14 = vector.shape_cast %get3A_13 : vector<1x32x27xbf16> to vector<32x27xbf16>
    %get3A_15 = arith.constant 0 : index
    %get3A_16 = arith.constant 0 : index
    %get3A_17 = arith.constant 0 : index
    %get3A_18 = vector.load %arg5[%get3A_15, %get3A_16, %get3A_17] : memref<1x32x27xbf16, #tpu.memory_space<vmem>>, vector<1x32x27xbf16>
    %get3A_19 = vector.shape_cast %get3A_18 : vector<1x32x27xbf16> to vector<32x27xbf16>
    %concatenate3A = tpu.concatenate %get3A_14, %get3A_19 in 0 : vector<32x27xbf16>, vector<32x27xbf16> -> vector<64x27xbf16>
    %get3A_20 = arith.constant 0 : index
    %get3A_21 = arith.constant 0 : index
    %get3A_22 = arith.constant 0 : index
    %get3A_23 = vector.load %arg6[%get3A_20, %get3A_21, %get3A_22] : memref<1x32x1xf32, #tpu.memory_space<vmem>>, vector<1x32x1xf32>
    %get3A_24 = vector.shape_cast %get3A_23 : vector<1x32x1xf32> to vector<32x1xf32>
    %get3A_25 = arith.constant 0 : index
    %get3A_26 = arith.constant 0 : index
    %get3A_27 = arith.constant 0 : index
    %get3A_28 = vector.load %arg7[%get3A_25, %get3A_26, %get3A_27] : memref<1x32x1xf32, #tpu.memory_space<vmem>>, vector<1x32x1xf32>
    %get3A_29 = vector.shape_cast %get3A_28 : vector<1x32x1xf32> to vector<32x1xf32>
    %concatenate3A_30 = tpu.concatenate %get3A_24, %get3A_29 in 0 : vector<32x1xf32>, vector<32x1xf32> -> vector<64x1xf32>
    %dot_general3A = arith.constant dense<0.000000e+00> : vector<64x12544xf32>
    %dot_general3A_31 = tpu.matmul %concatenate3A, %get3A_3, %dot_general3A {dimension_numbers = #tpu.dot_dimension_numbers<[1], [0], [0], [1], [0, 0, 1, 1], [], []>, transpose_lhs_hint = false} : vector<64x27xbf16>, vector<27x12544xbf16>, vector<64x12544xf32> -> vector<64x12544xf32>
    %add3A = vector.broadcast %concatenate3A_30 : vector<64x1xf32> to vector<64x12544xf32>
    %add3A_32 = arith.addf %dot_general3A_31, %add3A : vector<64x12544xf32>
    %max3A = arith.constant 0.000000e+00 : f32
    %max3A_33 = vector.broadcast %max3A : f32 to vector<64x12544xf32>
    %max3A_34 = arith.maximumf %add3A_32, %max3A_33 : vector<64x12544xf32>
    %reduce_sum3A = arith.constant dense<0.000000e+00> : vector<64xf32>
    %reduce_sum3A_35 = vector.multi_reduction <add>, %max3A_34, %reduce_sum3A [1] : vector<64x12544xf32> to vector<64xf32>
    %broadcast_in_dim3A = vector.shape_cast %reduce_sum3A_35 : vector<64xf32> to vector<64x1xf32>
    %div3A = arith.constant 1.254400e+04 : f32
    %div3A_36 = vector.broadcast %div3A : f32 to vector<64x1xf32>
    %div3A_37 = arith.divf %broadcast_in_dim3A, %div3A_36 : vector<64x1xf32>
    %broadcast_in_dim3A_38 = vector.broadcast %get3A_6 : f32 to vector<32x1xf32>
    %broadcast_in_dim3A_39 = vector.broadcast %get3A_9 : f32 to vector<32x1xf32>
    %concatenate3A_40 = tpu.concatenate %broadcast_in_dim3A_38, %broadcast_in_dim3A_39 in 0 : vector<32x1xf32>, vector<32x1xf32> -> vector<64x1xf32>
    %mul3A = arith.mulf %div3A_37, %concatenate3A_40 : vector<64x1xf32>
    %reshape3A = vector.shape_cast %mul3A : vector<64x1xf32> to vector<1x64xf32>
    %get3A_41 = arith.constant 0 : index
    %get3A_42 = arith.constant 0 : index
    %get3A_43 = arith.constant 0 : index
    %get3A_44 = vector.load %arg8[%get3A_41, %get3A_42, %get3A_43] : memref<1x32x1000xf32, #tpu.memory_space<vmem>>, vector<1x32x1000xf32>
    %get3A_45 = vector.shape_cast %get3A_44 : vector<1x32x1000xf32> to vector<32x1000xf32>
    %get3A_46 = arith.constant 0 : index
    %get3A_47 = arith.constant 0 : index
    %get3A_48 = arith.constant 0 : index
    %get3A_49 = vector.load %arg9[%get3A_46, %get3A_47, %get3A_48] : memref<1x32x1000xf32, #tpu.memory_space<vmem>>, vector<1x32x1000xf32>
    %get3A_50 = vector.shape_cast %get3A_49 : vector<1x32x1000xf32> to vector<32x1000xf32>
    %concatenate3A_51 = tpu.concatenate %get3A_45, %get3A_50 in 0 : vector<32x1000xf32>, vector<32x1000xf32> -> vector<64x1000xf32>
    %dot_general3A_52 = arith.constant dense<0.000000e+00> : vector<1x1000xf32>
    %dot_general3A_53 = tpu.matmul %reshape3A, %concatenate3A_51, %dot_general3A_52 {dimension_numbers = #tpu.dot_dimension_numbers<[1], [0], [0], [1], [0, 0, 1, 1], [], []>, transpose_lhs_hint = false} : vector<1x64xf32>, vector<64x1000xf32>, vector<1x1000xf32> -> vector<1x1000xf32>
    %get3A_54 = arith.constant 0 : index
    %get3A_55 = arith.constant 0 : index
    %get3A_56 = arith.constant 0 : index
    %get3A_57 = vector.load %arg10[%get3A_54, %get3A_55, %get3A_56] : memref<1x1x1000xf32, #tpu.memory_space<vmem>>, vector<1x1x1000xf32>
    %get3A_58 = vector.shape_cast %get3A_57 : vector<1x1x1000xf32> to vector<1x1000xf32>
    %mul3A_59 = vector.broadcast %get3A_6 : f32 to vector<1x1000xf32>
    %mul3A_60 = arith.mulf %mul3A_59, %get3A_58 : vector<1x1000xf32>
    %add3A_61 = arith.addf %dot_general3A_53, %mul3A_60 : vector<1x1000xf32>
    %get3A_62 = arith.constant 0 : index
    %get3A_63 = arith.constant 0 : index
    %get3A_64 = arith.constant 0 : index
    %get3A_65 = vector.load %arg11[%get3A_62, %get3A_63, %get3A_64] : memref<1x1x1000xf32, #tpu.memory_space<vmem>>, vector<1x1x1000xf32>
    %get3A_66 = vector.shape_cast %get3A_65 : vector<1x1x1000xf32> to vector<1x1000xf32>
    %mul3A_67 = vector.broadcast %get3A_9 : f32 to vector<1x1000xf32>
    %mul3A_68 = arith.mulf %mul3A_67, %get3A_66 : vector<1x1000xf32>
    %add3A_69 = arith.addf %add3A_61, %mul3A_68 : vector<1x1000xf32>
    %broadcast_in_dim3A_70 = vector.shape_cast %add3A_69 : vector<1x1000xf32> to vector<1x1x1000xf32>
    %swap3A = arith.constant 0 : index
    %swap3A_71 = arith.constant 0 : index
    %swap3A_72 = arith.constant 0 : index
    %swap3A_73 = vector.load %arg12[%swap3A, %swap3A_71, %swap3A_72] : memref<1x1x1000xf32, #tpu.memory_space<vmem>>, vector<1x1x1000xf32>
    tpu.vector_store %arg12[%swap3A, %swap3A_71, %swap3A_72], %broadcast_in_dim3A_70 {strides = array<i32>} : memref<1x1x1000xf32, #tpu.memory_space<vmem>>, vector<1x1x1000xf32>,
    return
  }
  func.func @transform_0(%arg0: i32, %arg1: memref<2x64xi32, #tpu.memory_space<smem>>, %arg2: memref<2x64xf32, #tpu.memory_space<smem>>) -> (i32, i32, i32) {
    %c0_i32 = arith.constant 0 : i32
    %c0_i32_0 = arith.constant 0 : i32
    %c0_i32_1 = arith.constant 0 : i32
    return %arg0, %c0_i32, %c0_i32_0 : i32, i32, i32
  }
  func.func @transform_1(%arg0: i32, %arg1: memref<2x64xi32, #tpu.memory_space<smem>>, %arg2: memref<2x64xf32, #tpu.memory_space<smem>>) -> (i32, i32, i32) {
    %get3A = arith.constant 0 : index
    %get3A_0 = arith.index_cast %arg0 : i32 to index
    %get3A_1 = memref.load %arg1[%get3A, %get3A_0] : memref<2x64xi32, #tpu.memory_space<smem>>
    %c0_i32 = arith.constant 0 : i32
    %c0_i32_2 = arith.constant 0 : i32
    %c0_i32_3 = arith.constant 0 : i32
    return %get3A_1, %c0_i32, %c0_i32_2 : i32, i32, i32
  }
  func.func @transform_2(%arg0: i32, %arg1: memref<2x64xi32, #tpu.memory_space<smem>>, %arg2: memref<2x64xf32, #tpu.memory_space<smem>>) -> (i32, i32, i32) {
    %get3A = arith.constant 1 : index
    %get3A_0 = arith.index_cast %arg0 : i32 to index
    %get3A_1 = memref.load %arg1[%get3A, %get3A_0] : memref<2x64xi32, #tpu.memory_space<smem>>
    %c0_i32 = arith.constant 0 : i32
    %c0_i32_2 = arith.constant 0 : i32
    %c0_i32_3 = arith.constant 0 : i32
    return %get3A_1, %c0_i32, %c0_i32_2 : i32, i32, i32
  }
  func.func @transform_3(%arg0: i32, %arg1: memref<2x64xi32, #tpu.memory_space<smem>>, %arg2: memref<2x64xf32, #tpu.memory_space<smem>>) -> (i32, i32, i32) {
    %get3A = arith.constant 0 : index
    %get3A_0 = arith.index_cast %arg0 : i32 to index
    %get3A_1 = memref.load %arg1[%get3A, %get3A_0] : memref<2x64xi32, #tpu.memory_space<smem>>
    %c0_i32 = arith.constant 0 : i32
    %c0_i32_2 = arith.constant 0 : i32
    %c0_i32_3 = arith.constant 0 : i32
    return %get3A_1, %c0_i32, %c0_i32_2 : i32, i32, i32
  }
  func.func @transform_4(%arg0: i32, %arg1: memref<2x64xi32, #tpu.memory_space<smem>>, %arg2: memref<2x64xf32, #tpu.memory_space<smem>>) -> (i32, i32, i32) {
    %get3A = arith.constant 1 : index
    %get3A_0 = arith.index_cast %arg0 : i32 to index
    %get3A_1 = memref.load %arg1[%get3A, %get3A_0] : memref<2x64xi32, #tpu.memory_space<smem>>
    %c0_i32 = arith.constant 0 : i32
    %c0_i32_2 = arith.constant 0 : i32
    %c0_i32_3 = arith.constant 0 : i32
    return %get3A_1, %c0_i32, %c0_i32_2 : i32, i32, i32
  }
  func.func @transform_5(%arg0: i32, %arg1: memref<2x64xi32, #tpu.memory_space<smem>>, %arg2: memref<2x64xf32, #tpu.memory_space<smem>>) -> (i32, i32, i32) {
    %get3A = arith.constant 0 : index
    %get3A_0 = arith.index_cast %arg0 : i32 to index
    %get3A_1 = memref.load %arg1[%get3A, %get3A_0] : memref<2x64xi32, #tpu.memory_space<smem>>
    %c0_i32 = arith.constant 0 : i32
    %c0_i32_2 = arith.constant 0 : i32
    %c0_i32_3 = arith.constant 0 : i32
    return %get3A_1, %c0_i32, %c0_i32_2 : i32, i32, i32
  }
  func.func @transform_6(%arg0: i32, %arg1: memref<2x64xi32, #tpu.memory_space<smem>>, %arg2: memref<2x64xf32, #tpu.memory_space<smem>>) -> (i32, i32, i32) {
    %get3A = arith.constant 1 : index
    %get3A_0 = arith.index_cast %arg0 : i32 to index
    %get3A_1 = memref.load %arg1[%get3A, %get3A_0] : memref<2x64xi32, #tpu.memory_space<smem>>
    %c0_i32 = arith.constant 0 : i32
    %c0_i32_2 = arith.constant 0 : i32
    %c0_i32_3 = arith.constant 0 : i32
    return %get3A_1, %c0_i32, %c0_i32_2 : i32, i32, i32
  }
  func.func @transform_7(%arg0: i32, %arg1: memref<2x64xi32, #tpu.memory_space<smem>>, %arg2: memref<2x64xf32, #tpu.memory_space<smem>>) -> (i32, i32, i32) {
    %get3A = arith.constant 0 : index
    %get3A_0 = arith.index_cast %arg0 : i32 to index
    %get3A_1 = memref.load %arg1[%get3A, %get3A_0] : memref<2x64xi32, #tpu.memory_space<smem>>
    %c0_i32 = arith.constant 0 : i32
    %c0_i32_2 = arith.constant 0 : i32
    %c0_i32_3 = arith.constant 0 : i32
    return %get3A_1, %c0_i32, %c0_i32_2 : i32, i32, i32
  }
  func.func @transform_8(%arg0: i32, %arg1: memref<2x64xi32, #tpu.memory_space<smem>>, %arg2: memref<2x64xf32, #tpu.memory_space<smem>>) -> (i32, i32, i32) {
    %get3A = arith.constant 1 : index
    %get3A_0 = arith.index_cast %arg0 : i32 to index
    %get3A_1 = memref.load %arg1[%get3A, %get3A_0] : memref<2x64xi32, #tpu.memory_space<smem>>
    %c0_i32 = arith.constant 0 : i32
    %c0_i32_2 = arith.constant 0 : i32
    %c0_i32_3 = arith.constant 0 : i32
    return %get3A_1, %c0_i32, %c0_i32_2 : i32, i32, i32
  }
  func.func @transform_9(%arg0: i32, %arg1: memref<2x64xi32, #tpu.memory_space<smem>>, %arg2: memref<2x64xf32, #tpu.memory_space<smem>>) -> (i32, i32, i32) {
    %c0_i32 = arith.constant 0 : i32
    %c0_i32_0 = arith.constant 0 : i32
    %c0_i32_1 = arith.constant 0 : i32
    return %arg0, %c0_i32, %c0_i32_0 : i32, i32, i32
  }
}

</mosaic_0001>

<sc_bundles>
// kernel: sparse-core-data-format-call.1.cloned.1.call-start
scs
called_computation.1_lowered:
.L_overlay_start_0:
0x0: {  	s2 =	sld [smem:$0x3FD9]  }
0x1: {  	s3 =	sld [smem:$0x3FFE];
	_ =	sdelay $0x1  }
0x2: {  	s1 =	srdreg.scid  }
0x3: {  	s0 =	sand.u32 $0x1, s1  }
0x4: {  	s18 =	sshll.u32 s0, $0xA;
	s2 =	sadd.s32 s3, s2  }
0x5: {  	s2 =	sadd.s32 s2, s18  }
0x6: {  	[smem:$0x3FBF] =	sst s2  }
0x7: {  	_ = 	snop  }
0x8: {  	s2 =	sld [smem:$0x3FC9];
	(tm) =	ssettm $0x1  }
0x9: {  	s19 =	sld [smem:$0x3FFB];
	_ =	sdelay $0x3  }
0xa: {  	_ =	strace s19  }
0xb: {  	s3 =	sld [smem:$0x3FFC];
	_ =	sdelay $0x3  }
0xc: {  	_ =	strace s3  }
0xd: {  	s3 =	sld [smem:$0x3FFD];
	_ =	sdelay $0x3  }
0xe: {  	_ =	strace s3  }
0xf: {  	_ =	strace $0x8FFFFFFF  }
0x10: {  	s20 =	sld [smem:$0x3FDB];
	_ =	sdelay $0x1  }
0x11: {  	s4 =	simm.s32 $_scs_section_size  }
0x12: {  	s5 =	simm.s32 $_size__tile_overlayer_lowered;
	s6 =	simm.s32 $_tile_overlayer_lowered  }
0x13: {  	s23 =	simm.s32 $0x1BFF;
	s22 =	sshll.u32 s6, $0x1;
	s3 =	sadd.s32 s4, s20  }
0x14: {  	s7 =	simm.s32 $0x0;
	s21 =	sshll.u32 s5, $0x1;
	s5 =	sadd.s32 s22, s3  }
0x15: {  	[timem:s7], [sflag:s23] =	dma.local [hbm:s5], s21  }
0x16: {  	_ =	swait.ge [sflag:s23], s21  }
0x17: {  	s4 =	ssub.s32 $0x0, s21;
	[sflag:s23] =	ssyncset.done $0x0  }
0x18: {  	[sflag:s23] =	ssyncadd.s32 s4;
	_ =	sdelay $0x1  }
0x19: {  	s24 =	simm.s32 $0x1B8B  }
0x1a: {  	_ =	swait.ge [sflag:s24], $0x1  }
0x1b: {  	[sflag:s24] =	ssyncset.done $0x0  }
0x1c: {  	s26 =	simm.s32 $0x1B8E;
	s25 =	sld [smem:$0x3FFE];
	[sflag:s24] =	ssyncadd.s32 $0xFFFFFFFF  }
0x1d: {  	s27 =	simm.s32 $execute0_lowered;
	[smem:$0x3FD2] =	sst s26  }
0x1e: {  	s5 =	sshll.u32 s27, $0x1;
	_ =	strace $0x80000046;
	[dreg:$0x1] =	wrdreg $0xFFFFFFFF  }
0x1f: {  	s28 =	simm.s32 $_size_execute0_lowered;
	s3 =	sadd.s32 s3, s5;
	[dreg:$0x0] =	wrdreg $0x0  }
0x20: {  	s5 =	sshll.u32 s28, $0x1;
	[dreg:$0x2] =	wrdreg s3  }
0x21: {  	[dreg:$0x3] =	wrdreg s5  }
0x22: {  	[dreg:$0x4] =	wrdreg $0xC0  }
0x23: {  	_ =	task [dreg:s7], $0x5FFFF  }
0x24: {  	[dreg:$0x1] =	wrdreg $0xFFFFFFFF  }
0x25: {  	[dreg:$0x0] =	wrdreg $0x60  }
0x26: {  	[dreg:$0x2] =	wrdreg s2  }
0x27: {  	[dreg:$0x3] =	wrdreg s25  }
0x28: {  	[dreg:$0x4] =	wrdreg $0x9  }
0x29: {  	_ =	task.clear_ibuf [dreg:s7], $0x5FFFF;
	_ =	strace $0x90000046  }
0x2a: {  	s29 =	simm.s32 $0x9;
	_ =	strace $0x80000048  }
0x2b: {  	_ =	swait.ge [sflag:s29], $0x1  }
0x2c: {  	[sflag:s29] =	ssyncadd.s32 $0xFFFFFFFF  }
0x2d: {  	_ =	strace $0x90000048  }
0x2e: {  	_ =	sfence  }
0x2f: {  	s30 =	sld [smem:$0x0];
	_ =	sdelay $0x2  }
0x30: {  	s31 =	sshll.u32 s1, $0xD;
	s1 =	sshrl.u32 s1, $0x2  }
0x31: {  	s3 =	sand.u32 $0x4000, s31;
	s1 =	sadd.s32 s1, s30  }
0x32: {  	s0 =	sor.u32 s3, s0;
	s1 =	sshll.u32 s1, $0x11  }
0x33: {  	s0 =	sor.u32 s1, s0  }
0x34: {  	s0 =	sadd.s32 $0x8F2B, s0  }
0x35: {  	[sflag:s0] =	ssyncadd.remote.s32 $0x1  }
0x36: {  	_ =	sfence.sel $0xFFFF  }
0x37: {  	[dreg:$0x0] =	wrdreg $0xFFFFFFFF;
	(pc) =	sbr.abs _section_cstart, $3  }
0x38: {  	[dreg:$0x1] =	wrdreg $0xFFFFFFFF  }
0x39: {  	_ =	task.clear_ibuf [dreg:s7], $0x2FFFF;
	_ =	strace $0x9FFFFFFF  }
0x3a: {  	(tm) =	ssettm $0x7FFFFFFF  }
0x3b: {  	_ =	shalt  }
tec
execute0_lowered:
.L_overlay_start_1:
0x0: {  	(tag) =	ssettag $0x1  }
0x1: {  	s2 =	rddreg [dreg:$0x0]  }
0x2: {  	s1 =	rddreg [dreg:$0x1]  }
0x3: {  	s0 =	rddreg [dreg:$0x2]  }
0x4: {  	s4 =	srdreg.scid;
	_ =	strace $0x80000047;
	s6 =	simm.s32 $0x2  }
0x5: {  	s16 =	simm.s32 $0x0;
	p0 =	por $0x0, $0x0;
	s18 =	simm.s32 $0x0  }
0x6: {  	s19 =	simm.s32 $0x0;
	s17 =	simm.s32 $0x0;
	s7 =	simm.s32 $0x0  }
0x7: {  	s8 =	simm.s32 $0x0;
	s10 =	simm.s32 $0x0;
	s11 =	simm.s32 $0x0  }
.Ltmp0:
0x8: {  	s12 =	simm.s32 $0x0;
	s14 =	simm.s32 $0x0;
	(pc) =	sbr.rel .LBB1_1-.Ltmp0, $4  }
0x9: {  	s15 =	simm.s32 $0x0;
	s3 =	sadd.s32 $0x1A00, s1;
	s4 =	sshll.u32 s4, $0x4  }
0xa: {  	s1 =	stileid.u32;
	s5 =	sand.u32 $0x10, s4;
	s4 =	simm.s32 $0x1  }
0xb: {  	s9 =	simm.s32 $0x0;
	s5 =	sor.u32 s1, s5;
	[sflag:s4] =	ssyncpa.u1 $0x0  }
0xc: {  	[sflag:s6] =	ssyncpa.u1 $0x0;
	s6 =	simm.s32 $0x80;
	s13 =	smov.u32 s5  }
.LBB1_5:
0xd: {  	p1 =	slt.u32 s9, $0x2;
	s20 =	smov.u32 s19  }
0xe: {  	s23 =	smov.u32 s15;
	s9 =	sadd.s32 $0x1, s9;
	p2 =	sgt.s32 @!p1 s19, $0x2  }
0xf: {  	s21 =	sshra.s32 @!p1 s19, $0x1F;
	s22 =	sshra.s32 @!p1 s18, $0x1F;
	p2 =	por !p2, p1  }
0x10: {  	p4 =	sgt.s32 @!p1 s16, $0x60;
	s19 =	sand.u32 @!p1 s21, s19;
	s20 =	simm.s32 @p2 $0x2  }
0x11: {  	s21 =	smov.u32 s18;
	p2 =	sgt.s32 @!p1 s18, $0xDF;
	s19 =	ssub.s32 @!p1 s20, s19  }
0x12: {  	s18 =	sand.u32 @!p1 s22, s18;
	p2 =	por !p2, p1;
	s20 =	sadd.s32 @!p1 $0xFFFFFFFE, s19  }
0x13: {  	s21 =	simm.s32 @p2 $0xDF;
	s19 =	ssub.s32 @!p1 $0x3, s19;
	p3 =	sgt.s32 @!p1 s20, $0x0  }
0x14: {  	s18 =	ssub.s32 @!p1 s21, s18;
	s21 =	sshra.s32 @!p1 s17, $0x1F;
	p2 =	por !p3, p1  }
0x15: {  	s20 =	sadd.s32 @!p1 $0xFFFFFF21, s18;
	s18 =	ssub.s32 @!p1 $0xE0, s18;
	p3 =	sgt.s32 @!p1 s17, $0x40  }
0x16: {  	s19 =	simm.s32 @!p2 $0x0;
	p2 =	sgt.s32 @!p1 s20, $0x0;
	p3 =	por !p3, p1  }
0x17: {  	s20 =	smov.u32 s17;
	s17 =	sand.u32 @!p1 s21, s17;
	s21 =	smov.u32 s16  }
0x18: {  	p2 =	por !p2, p1;
	s20 =	simm.s32 @p3 $0x40;
	p3 =	por !p4, p1  }
0x19: {  	s17 =	ssub.s32 @!p1 s20, s17;
	s20 =	sshra.s32 @!p1 s16, $0x1F;
	s21 =	simm.s32 @p3 $0x60  }
0x1a: {  	s18 =	simm.s32 @!p2 $0x0;
	s16 =	sand.u32 @!p1 s20, s16;
	s20 =	sadd.s32 @!p1 $0xFFFFFFC0, s17  }
0x1b: {  	s17 =	ssub.s32 @!p1 $0x80, s17;
	s16 =	ssub.s32 @!p1 s21, s16;
	p2 =	sgt.s32 @!p1 s20, $0x3F  }
0x1c: {  	s21 =	smov.u32 s13;
	s20 =	sadd.s32 @!p1 $0xFFFFFFA0, s16;
	p2 =	por !p2, p1  }
0x1d: {  	p3 =	sgt.s32 @!p1 s20, $0x7F;
	s17 =	simm.s32 @!p2 $0x0;
	s20 =	sadd.s32 $0x80, s12  }
0x1e: {  	s17 =	smul.u32 @!p1 s17, s19;
	p2 =	sgt.s32 s20, $0xDF;
	s19 =	sadd.s32 $0x20, s13  }
0x1f: {  	p0 =	por !p0, !p0;
	s24 =	simm.s32 @!p1 $0x2;
	s21 =	smov.u32 @p2 s19  }
0x20: {  	s17 =	smul.u32 @!p1 s18, s17;
	p4 =	sgt.s32 s21, $0xDF;
	s18 =	simm.s32 $0x1  }
0x21: {  	s16 =	ssub.s32 @!p1 $0xE0, s16;
	p3 =	por !p3, p1;
	s18 =	simm.s32 @!p4 $0x0  }
0x22: {  	s16 =	simm.s32 @!p3 $0x0;
	s20 =	simm.s32 @p2 $0x0;
	s22 =	sadd.s32 s18, s14  }
0x23: {  	s16 =	smul.u32 @!p1 s16, s17;
	s17 =	sadd.s32 $0x40, s15;
	p2 =	sgt.s32 s22, $0x2  }
0x24: {  	s19 =	smov.u32 s10;
	s10 =	smov.u32 s14;
	s23 =	smov.u32 @p2 s17  }
0x25: {  	s21 =	smov.u32 @p4 s5;
	s22 =	simm.s32 @p2 $0x0;
	p2 =	sgt.s32 s23, $0x3F  }
0x26: {  	s18 =	smov.u32 s8;
	s23 =	simm.s32 @p2 $0x0;
	p2 =	sne.s32 s9, $0x2C  }
.Ltmp1:
0x27: {  	s8 =	smov.u32 s13;
	s13 =	smov.u32 s21;
	(pc) =	sbr.rel @!p2 .LBB1_6-.Ltmp1, $4  }
0x28: {  	s16 =	sand.u32 @!p1 $0x3FFFFFFF, s16;
	s17 =	smov.u32 s11;
	s11 =	smov.u32 s15  }
0x29: {  	_ =	swait.ge @!p1 [sflag:s24], s16;
	s25 =	ssub.s32 @!p1 $0x0, s16;
	s16 =	smov.u32 s7  }
0x2a: {  	s7 =	smov.u32 s12;
	s12 =	smov.u32 s20;
	[sflag:s24] =	ssyncset.done @!p1 $0x0  }
0x2b: {  	s14 =	smov.u32 s22;
	[sflag:s24] =	ssyncadd.s32 @!p1 s25;
	s15 =	smov.u32 s23  }
.LBB1_1:
0x2c: {  	p1 =	sgt.u32 s9, $0x29  }
0x2d: {  	s20 =	sshll.u32 @!p1 s13, $0x8;
	s21 =	sshll.u32 @!p1 s12, $0x3  }
0x2e: {  	s22 =	sshll.u32 @!p1 s13, $0x7;
	s20 =	sand.u32 @!p1 $0xFFFFF800, s20;
	s21 =	sand.u32 @!p1 $0xFFFFFC00, s21  }
0x2f: {  	s20 =	sadd.s32 @!p1 s20, s21;
	s21 =	sand.u32 @!p1 $0x300, s22  }
0x30: {  	s20 =	sor.u32 @!p1 s21, s20  }
0x31: {  	s20 =	sshrl.u32 @!p1 s20, $0x8  }
0x32: {  	s21 =	smulhi.u32 @!p1 $0x124924A, s20  }
0x33: {  	s23 =	sxor.u32 @!p1 $0xFFFFFFFF, s9;
	s25 =	smul.u32 @!p1 $0x5400, s15  }
0x34: {  	s24 =	sand.u32 @!p1 $0x78, s12;
	s22 =	sand.u32 @!p1 $0x80, s22;
	s21 =	smul.u32 @!p1 $0xE0, s21  }
0x35: {  	s23 =	sshll.u32 @!p1 s23, $0xD;
	s22 =	sor.u32 @!p1 s24, s22;
	s24 =	smul.u32 @!p1 $0x1C00, s14  }
0x36: {  	s20 =	ssub.s32 @!p1 s20, s21;
	s21 =	sand.u32 @!p1 $0x2000, s23;
	s23 =	sadd.s32 @!p1 s2, s25  }
0x37: {  	s22 =	sshrl.u32 @!p1 s22, $0x3;
	s23 =	sadd.s32 @!p1 s24, s23;
	s24 =	sand.u32 @!p1 $0x7, s12  }
0x38: {  	s20 =	sshll.u32 @!p1 s20, $0x5;
	s22 =	sadd.s32 @!p1 s22, s23;
	s23 =	sshll.u32 @!p1 s24, $0x12  }
0x39: {  	s20 =	sadd.s32 @!p1 s20, s22;
	s22 =	sor.u32 @!p1 $0x80, s23;
	s23 =	simm.s32 @!p1 $0x2A000  }
0x3a: {  	[tilespmem:s21], [sflag:$0x1] =	stream.strided.gather @!p1 [hbm4b:s20+s22], $0x2000, s23, s22, $0x38;
	[tilespmem:$0x8100] =	vst v63  }
0x3b: {  	p1 =	seq.s32 s9, $0x0  }
0x3c: {  	p2 =	seq.s32 @!p1 s9, $0x2B  }
0x3d: {  	p1 =	por p1, p2  }
.Ltmp2:
0x3e: {  	_ = 	snop;
	(pc) =	sbr.rel @p1 .LBB1_5-.Ltmp2, $1  }
0x3f: {  	_ =	sdelay $0x3  }
0x40: {  	s20 =	simm.s32 $0x1  }
0x41: {  	_ =	swait.ge [sflag:s4], $0x2000;
	s20 =	simm.s32 @!p0 $0x0  }
0x42: {  	[sflag:s4] =	ssyncset.done $0x0;
	s21 =	sshll.u32 s20, $0xD  }
0x43: {  	[sflag:s4] =	ssyncadd.s32 $0xFFFFE000;
	s21 =	sor.u32 $0x40, s21  }
0x44: {  	s20 =	smul.u32 $0x8200, s20;
	v0 =	vld [tilespmem:s21+$0x30]  }
0x45: {  	v1 =	vld [tilespmem:s21+$0xFFFFFFD0]  }
0x46: {  	s20 =	sshrl.u32 s20, $0x2;
	v5 =	vld [tilespmem:s21+$0xFFFFFFE0]  }
0x47: {  	v6 =	vld [tilespmem:s21+$0xFFFFFFF0];
	s23 =	sor.u32 $0x4000, s20  }
0x48: {  	s31 =	sand.u32 $0x1, s9;
	v4 =	vld [tilespmem:s21+$0x0];
	s22 =	sadd.s32 $0x0, s23  }
0x49: {  	v3 =	vld [tilespmem:s21+$0x10];
	s20 =	smul.u32 $0x8200, s31;
	[tilespmem:s22+$0x1C70 ss:$0x41] =	vst.msk $0xffff, v0  }
0x4a: {  	v2 =	vld [tilespmem:s21+$0x20];
	[tilespmem:s22+$0x410 ss:$0x41] =	vst.msk $0xffff, v1  }
0x4b: {  	s20 =	sshrl.u32 s20, $0x2;
	v1 =	vld [tilespmem:s21+$0xFFFFFFC0];
	[tilespmem:s22+$0x820 ss:$0x41] =	vst.msk $0xffff, v5;
	s21 =	sadd.s32 $0x80, s21  }
0x4c: {  	s24 =	simm.s32 $0x4;
	s25 =	simm.s32 $0x8;
	s20 =	sor.u32 $0x4000, s20;
	[tilespmem:s22+$0xC30 ss:$0x41] =	vst.msk $0xffff, v6;
	v0 =	vld [tilespmem:s21+$0x30]  }
.LBB1_3:
0x4d: {  	p1 =	sne.s32 s25, $0xFC;
	v5 =	vld [tilespmem:s21+$0xFFFFFFD0];
	[tilespmem:s22+$0x1040 ss:$0x41] =	vst.msk $0xffff, v4  }
0x4e: {  	v6 =	vld [tilespmem:s21+$0xFFFFFFE0];
	[tilespmem:s22+$0x1450 ss:$0x41] =	vst.msk $0xffff, v3  }
0x4f: {  	s26 =	sshra.s32 s24, $0x2;
	s24 =	smov.u32 s25;
	v7 =	vld [tilespmem:s21+$0xFFFFFFF0];
	[tilespmem:s22+$0x1860 ss:$0x41] =	vst.msk $0xffff, v2  }
.Ltmp3:
0x50: {  	v4 =	vld [tilespmem:s21+$0x0];
	[tilespmem:s22+$0x0 ss:$0x41] =	vst.msk $0xffff, v1;
	s22 =	sadd.s32 s26, s23;
	(pc) =	sbr.rel @p1 .LBB1_3-.Ltmp3, $4  }
0x51: {  	v3 =	vld [tilespmem:s21+$0x10];
	[tilespmem:s22+$0x1C70 ss:$0x41] =	vst.msk $0xffff, v0  }
0x52: {  	[tilespmem:s22+$0x410 ss:$0x41] =	vst.msk $0xffff, v5;
	v2 =	vld [tilespmem:s21+$0x20]  }
0x53: {  	v1 =	vld [tilespmem:s21+$0xFFFFFFC0];
	[tilespmem:s22+$0x820 ss:$0x41] =	vst.msk $0xffff, v6;
	s21 =	sadd.s32 $0x80, s21  }
0x54: {  	s25 =	sadd.s32 $0x4, s25;
	v0 =	vld [tilespmem:s21+$0x30];
	[tilespmem:s22+$0xC30 ss:$0x41] =	vst.msk $0xffff, v7  }
0x55: {  	s25 =	sshll.u32 s7, $0x7;
	s26 =	sshll.u32 s11, $0x3  }
0x56: {  	s27 =	sand.u32 $0xFFFFFC00, s25;
	s26 =	sand.u32 $0xFFFFFC00, s26  }
0x57: {  	s25 =	sand.u32 $0x380, s25;
	s26 =	sadd.s32 s26, s27  }
0x58: {  	s25 =	sor.u32 s25, s26  }
0x59: {  	s25 =	sshrl.u32 s25, $0x7  }
0x5a: {  	s24 =	sshra.s32 s24, $0x2;
	p1 =	sgt.s32 s10, $0x2;
	s28 =	smulhi.u32 $0x2492493, s25  }
0x5b: {  	p2 =	sgt.s32 s8, $0xDF;
	s30 =	sshra.s32 s8, $0x1F;
	s23 =	sadd.s32 s24, s23  }
0x5c: {  	s27 =	smov.u32 s10;
	s26 =	sshrl.u32 s28, $0x1;
	s28 =	sshra.s32 s10, $0x1F  }
0x5d: {  	s27 =	simm.s32 @!p1 $0x2;
	s26 =	smul.u32 $0xE0, s26;
	s28 =	sand.u32 s28, s10  }
0x5e: {  	[tilespmem:s22+$0x1040 ss:$0x41] =	vst.msk $0xffff, v4;
	s24 =	ssub.s32 s27, s28;
	s27 =	smov.u32 s8;
	s28 =	smov.u32 s11  }
0x5f: {  	[tilespmem:s22+$0x1450 ss:$0x41] =	vst.msk $0xffff, v3;
	s25 =	ssub.s32 s25, s26;
	s29 =	sadd.s32 $0xFFFFFFFE, s24;
	s27 =	simm.s32 @!p2 $0xDF  }
0x60: {  	[tilespmem:s22+$0x1860 ss:$0x41] =	vst.msk $0xffff, v2;
	s26 =	sand.u32 s30, s8;
	p2 =	sgt.s32 s11, $0x40;
	s30 =	sshra.s32 s7, $0x1F  }
0x61: {  	[tilespmem:s22+$0x0 ss:$0x41] =	vst.msk $0xffff, v1;
	s22 =	ssub.s32 $0x3, s24;
	p1 =	sgt.s32 s29, $0x0;
	s29 =	sshra.s32 s11, $0x1F  }
0x62: {  	s26 =	ssub.s32 s27, s26;
	s28 =	simm.s32 @!p2 $0x40;
	p2 =	sgt.s32 s7, $0x60  }
0x63: {  	v5 =	vld [tilespmem:s21+$0xFFFFFFD0];
	s30 =	sand.u32 s30, s7;
	s31 =	sand.u32 s29, s11;
	s29 =	smov.u32 s7  }
0x64: {  	v58 =	vld [tilespmem:s21+$0xFFFFFFE0];
	s22 =	simm.s32 @p1 $0x0;
	s27 =	ssub.s32 s28, s31;
	s31 =	sadd.s32 $0xFFFFFF21, s26  }
0x65: {  	v59 =	vld [tilespmem:s21+$0xFFFFFFF0];
	s29 =	simm.s32 @!p2 $0x60;
	p2 =	sgt.s32 s31, $0x0;
	s31 =	sadd.s32 $0xFFFFFFC0, s27  }
0x66: {  	v60 =	vld [tilespmem:s21+$0x0];
	s26 =	ssub.s32 $0xE0, s26;
	s24 =	ssub.s32 $0x80, s27;
	p3 =	sgt.s32 s31, $0x3F  }
0x67: {  	v61 =	vld [tilespmem:s21+$0x10];
	[tilespmem:s23+$0x1C70 ss:$0x41] =	vst.msk $0xffff, v0;
	s28 =	smul.u32 $0xE00, s8;
	s30 =	ssub.s32 s29, s30;
	s24 =	simm.s32 @p3 $0x0  }
0x68: {  	v62 =	vld [tilespmem:s21+$0x20];
	[tilespmem:s23+$0x410 ss:$0x41] =	vst.msk $0xffff, v5;
	s26 =	simm.s32 @p2 $0x0;
	s29 =	sadd.s32 $0xFFFFFFA0, s30;
	s22 =	smul.u32 s24, s22  }
0x69: {  	v63 =	vld [tilespmem:s21+$0xFFFFFFC0];
	[tilespmem:s23+$0x820 ss:$0x41] =	vst.msk $0xffff, v58;
	s21 =	ssub.s32 $0xE0, s30;
	s30 =	smul.u32 $0xC4000, s10;
	p1 =	sgt.s32 s29, $0x7F  }
0x6a: {  	[tilespmem:s23+$0xC30 ss:$0x41] =	vst.msk $0xffff, v59;
	s31 =	sshrl.u32 s11, $0x3;
	s21 =	simm.s32 @p1 $0x0;
	s22 =	smul.u32 s26, s22  }
.Ltmp4:
0x6b: {  	[tilespmem:s23+$0x1040 ss:$0x41] =	vst.msk $0xffff, v60;
	s24 =	sadd.s32 s3, s30;
	s26 =	sand.u32 $0xF, s31;
	(pc) =	sbr.rel .LBB1_5-.Ltmp4, $4  }
0x6c: {  	[tilespmem:s23+$0x1450 ss:$0x41] =	vst.msk $0xffff, v61;
	s30 =	sand.u32 $0x7, s11;
	s29 =	sadd.s32 s26, s24;
	s21 =	smul.u32 s21, s22  }
0x6d: {  	[tilespmem:s23+$0x1860 ss:$0x41] =	vst.msk $0xffff, v62;
	s25 =	sshll.u32 s25, $0x4;
	s24 =	sshll.u32 s30, $0x12;
	s22 =	sadd.s32 s28, s29  }
0x6e: {  	[tilespmem:s23+$0x0 ss:$0x41] =	vst.msk $0xffff, v63;
	s31 =	sor.u32 $0x40, s24;
	s22 =	sadd.s32 s25, s22;
	s21 =	sand.u32 $0x3FFFFFFF, s21  }
0x6f: {  	[hbm4b:s22+s31] =	stream.strided.scatter [tilespmem:s20], [sflag:$0x2], s21, s6, s31, $0x18;
	[tilespmem:$0x8100] =	vst v63  }
.LBB1_6:
0x70: {  	_ =	sfence.sel $0x180000  }
0x71: {  	s2 =	simm.s32 $0x1;
	[bflag:$0x0] =	sbarrier.arrive $0xFFFF  }
0x72: {  	s31 =	simm.s32 $0x2;
	[sflag:s2] =	ssyncpa.u1 $0x1  }
0x73: {  	[sflag:s31] =	ssyncpa.u1 $0x1  }
0x74: {  	p0 =	sne.s32 s1, $0x0;
	_ =	strace $0x90000047  }
0x75: {  	s0 =	sadd.s32 @!p0 $0x100000, s0;
	[bflag:$0x2] =	sbarrier.arrive $0xFFFF  }
0x76: {  	[sflag:s0] =	ssyncadd.tile.s32 @!p0 $0x1;
	_ =	shalt  }
.Lfunc_end1:
_tile_overlayer_lowered:
.L_overlay_start_2:
0x77: {  	(tag) =	ssettag $0x2  }
0x78: {  	s0 =	rddreg [dreg:$0x0];
	s2 =	stileid.u32  }
0x79: {  	s1 =	rddreg [dreg:$0x1];
	p0 =	sne.s32 s2, $0x0  }
0x7a: {  	s3 =	rddreg [dreg:$0x2];
	[bflag:$0x3] =	sbarrier.arrive $0xFFFF;
	s2 =	simm.s32 @!p0 $0x1C01  }
0x7b: {  	[timem:s3], [sflag:s2] =	dma.local @!p0 [hbm:s0], s1  }
0x7c: {  	s0 =	simm.s32 @!p0 $0x1  }
0x7d: {  	_ =	swait.ge @!p0 [sflag:s0], s1  }
0x7e: {  	s1 =	ssub.s32 @!p0 $0x0, s1;
	[sflag:s0] =	ssyncset.done @!p0 $0x0  }
0x7f: {  	[sflag:s0] =	ssyncadd.s32 @!p0 s1  }
0x80: {  	[bflag:$0x3] =	sbarrier.arrive $0xFFFF  }
0x81: {  	_ =	shalt  }

// kernel: sparse-core-data-format-call.cloned.1.call-start
scs
called_computation_lowered:
.L_overlay_start_0:
0x0: {  	s1 =	sld [smem:$0x3FD9]  }
0x1: {  	s2 =	sld [smem:$0x3FFE];
	_ =	sdelay $0x1  }
0x2: {  	s3 =	srdreg.scid  }
0x3: {  	s0 =	sand.u32 $0x1, s3  }
0x4: {  	s17 =	sshll.u32 s0, $0xA;
	s1 =	sadd.s32 s2, s1  }
0x5: {  	s1 =	sadd.s32 s1, s17  }
0x6: {  	[smem:$0x3FBF] =	sst s1  }
0x7: {  	_ = 	snop  }
0x8: {  	(tm) =	ssettm $0x1  }
0x9: {  	s18 =	sld [smem:$0x3FFB];
	_ =	sdelay $0x3  }
0xa: {  	_ =	strace s18  }
0xb: {  	s1 =	sld [smem:$0x3FFC];
	_ =	sdelay $0x3  }
0xc: {  	_ =	strace s1  }
0xd: {  	s1 =	sld [smem:$0x3FFD];
	_ =	sdelay $0x3  }
0xe: {  	_ =	strace s1  }
0xf: {  	_ =	strace $0x8FFFFFFF  }
0x10: {  	s19 =	sld [smem:$0x3FDB];
	_ =	sdelay $0x1  }
0x11: {  	s20 =	simm.s32 $_scs_section_size  }
0x12: {  	s4 =	simm.s32 $_size__tile_overlayer_lowered;
	s5 =	simm.s32 $_tile_overlayer_lowered  }
0x13: {  	s23 =	simm.s32 $0x1BFF;
	s22 =	sshll.u32 s5, $0x1;
	s1 =	sadd.s32 s20, s19  }
0x14: {  	s6 =	simm.s32 $0x0;
	s21 =	sshll.u32 s4, $0x1;
	s4 =	sadd.s32 s22, s1  }
0x15: {  	[timem:s6], [sflag:s23] =	dma.local [hbm:s4], s21  }
0x16: {  	_ =	swait.ge [sflag:s23], s21  }
0x17: {  	s2 =	ssub.s32 $0x0, s21;
	[sflag:s23] =	ssyncset.done $0x0  }
0x18: {  	[sflag:s23] =	ssyncadd.s32 s2;
	_ =	sdelay $0x1  }
0x19: {  	s24 =	simm.s32 $0x1B8B  }
0x1a: {  	_ =	swait.ge [sflag:s24], $0x1  }
0x1b: {  	[sflag:s24] =	ssyncset.done $0x0  }
0x1c: {  	s26 =	simm.s32 $0x1B8E;
	s25 =	sld [smem:$0x3FFE];
	[sflag:s24] =	ssyncadd.s32 $0xFFFFFFFF  }
0x1d: {  	s27 =	simm.s32 $execute0_lowered;
	[smem:$0x3FD2] =	sst s26  }
0x1e: {  	s4 =	sshll.u32 s27, $0x1;
	_ =	strace $0x80000049;
	[dreg:$0x1] =	wrdreg $0xFFFFFFFF  }
0x1f: {  	s28 =	simm.s32 $_size_execute0_lowered;
	s1 =	sadd.s32 s1, s4;
	[dreg:$0x0] =	wrdreg $0x0  }
0x20: {  	s4 =	sshll.u32 s28, $0x1;
	[dreg:$0x2] =	wrdreg s1  }
0x21: {  	[dreg:$0x3] =	wrdreg s4  }
0x22: {  	[dreg:$0x4] =	wrdreg $0xC0  }
0x23: {  	_ =	task [dreg:s6], $0x5FFFF  }
0x24: {  	[dreg:$0x1] =	wrdreg $0xFFFFFFFF  }
0x25: {  	[dreg:$0x0] =	wrdreg $0x60  }
0x26: {  	[dreg:$0x2] =	wrdreg s25  }
0x27: {  	[dreg:$0x3] =	wrdreg $0x9  }
0x28: {  	_ =	task.clear_ibuf [dreg:s6], $0x4FFFF;
	_ =	strace $0x90000049  }
0x29: {  	s29 =	simm.s32 $0x9;
	_ =	strace $0x8000004B  }
0x2a: {  	_ =	swait.ge [sflag:s29], $0x1  }
0x2b: {  	[sflag:s29] =	ssyncadd.s32 $0xFFFFFFFF  }
0x2c: {  	_ =	strace $0x9000004B  }
0x2d: {  	_ =	sfence  }
0x2e: {  	s30 =	sld [smem:$0x0];
	_ =	sdelay $0x2  }
0x2f: {  	s31 =	sshll.u32 s3, $0xD;
	s3 =	sshrl.u32 s3, $0x2  }
0x30: {  	s2 =	sand.u32 $0x4000, s31;
	s1 =	sadd.s32 s3, s30  }
0x31: {  	s0 =	sor.u32 s2, s0;
	s1 =	sshll.u32 s1, $0x11  }
0x32: {  	s0 =	sor.u32 s1, s0  }
0x33: {  	s0 =	sadd.s32 $0x8F2B, s0  }
0x34: {  	[sflag:s0] =	ssyncadd.remote.s32 $0x1  }
0x35: {  	_ =	sfence.sel $0xFFFF  }
0x36: {  	[dreg:$0x0] =	wrdreg $0xFFFFFFFF;
	(pc) =	sbr.abs _section_cstart, $3  }
0x37: {  	[dreg:$0x1] =	wrdreg $0xFFFFFFFF  }
0x38: {  	_ =	task.clear_ibuf [dreg:s6], $0x2FFFF;
	_ =	strace $0x9FFFFFFF  }
0x39: {  	(tm) =	ssettm $0x7FFFFFFF  }
tec
execute0_lowered:
.L_overlay_start_1:
0x0: {  	(tag) =	ssettag $0x1  }
0x1: {  	s0 =	stileid.u32  }
0x2: {  	s2 =	srdreg.scid;
	s8 =	rddreg [dreg:$0x0]  }
0x3: {  	s10 =	simm.s32 $0x2;
	s15 =	simm.s32 $0x0;
	p0 =	por $0x0, $0x0  }
0x4: {  	s11 =	simm.s32 $0x2D000;
	s17 =	simm.s32 $0x0;
	s1 =	sshrl.u32 s0, $0x3  }
0x5: {  	s2 =	sand.u32 $0x1, s2;
	s3 =	sand.u32 $0x7, s0;
	s4 =	ssub.s32 $0x2, s1  }
0x6: {  	s5 =	ssub.s32 $0x78, s3;
	s6 =	sshrl.u32 s4, $0x1;
	s4 =	sand.u32 $0x1, s4  }
0x7: {  	s30 =	ssub.s32 $0x2, s2;
	s5 =	sshrl.u32 s5, $0x3;
	s4 =	sadd.s32 s4, s6  }
0x8: {  	s18 =	simm.s32 $0x0;
	s7 =	sshrl.u32 s30, $0x1;
	s5 =	smul.u32 s4, s5  }
0x9: {  	s16 =	simm.s32 $0x0;
	s9 =	smul.u32 $0xE20, s1;
	s6 =	ssub.s32 s30, s7  }
0xa: {  	s13 =	simm.s32 $0x0;
	s14 =	simm.s32 $0x0;
	s7 =	smul.u32 s6, s5  }
.Ltmp0:
0xb: {  	s31 =	sshll.u32 s2, $0x4;
	s9 =	sadd.s32 s9, s8;
	(pc) =	sbr.rel .LBB1_1-.Ltmp0, $4  }
0xc: {  	s4 =	rddreg [dreg:$0x1];
	_ =	strace $0x8000004A;
	s5 =	sadd.s32 $0x1A00, s8  }
0xd: {  	s6 =	simm.s32 $0x1;
	s8 =	sadd.s32 s31, s9;
	s7 =	smul.u32 $0x3, s7  }
0xe: {  	s12 =	smov.u32 s3;
	[sflag:s6] =	ssyncpa.u1 $0x0;
	s8 =	sadd.s32 $0x4B4200, s8  }
0xf: {  	[sflag:s10] =	ssyncpa.u1 $0x0;
	s10 =	simm.s32 $0x80;
	s9 =	sadd.s32 $0x1, s7  }
.LBB1_4:
0x10: {  	s18 =	sand.u32 $0x1FFFFFF, s18;
	s16 =	smul.u32 $0x780, s16  }
0x11: {  	s21 =	smulhi.u32 $0x2222223, s18  }
0x12: {  	s17 =	smul.u32 $0x2D00, s17  }
0x13: {  	s21 =	smul.u32 $0x78, s21  }
0x14: {  	s15 =	smul.u32 $0x1680, s15;
	s16 =	sadd.s32 s5, s16  }
0x15: {  	[tilespmem:s20+$0x810 ss:$0x81] =	vst.msk $0xffff, v2;
	s16 =	sadd.s32 s17, s16;
	s18 =	ssub.s32 s18, s21  }
0x16: {  	[tilespmem:s20+$0x1020 ss:$0x81] =	vst.msk $0xffff, v0;
	s15 =	sadd.s32 s15, s16;
	s31 =	sshll.u32 s18, $0x4  }
0x17: {  	[tilespmem:s20+$0x0 ss:$0x81] =	vst.msk $0xffff, v1;
	s15 =	sadd.s32 s31, s15  }
0x18: {  	[hbm4b:s15+s10] =	stream.strided.scatter [tilespmem:s19], [sflag:$0x2], $0x2000, s11, s10, $0x20;
	[tilespmem:$0x8080] =	vst v63  }
.LBB1_5:
0x19: {  	s19 =	sadd.s32 $0x8, s12  }
0x1a: {  	s15 =	simm.s32 $0x1;
	p2 =	sgt.s32 s19, $0x70  }
0x1b: {  	s15 =	simm.s32 @!p2 $0x0  }
0x1c: {  	s20 =	sadd.s32 s15, s13  }
0x1d: {  	s19 =	smov.u32 @p2 s3;
	p2 =	sgt.s32 s20, $0x2  }
0x1e: {  	p1 =	slt.u32 s14, $0x2;
	s20 =	simm.s32 @p2 $0x0;
	p2 =	sne.s32 s14, s9  }
.Ltmp1:
0x1f: {  	s17 =	simm.s32 @!p1 $0x2;
	(pc) =	sbr.rel @!p2 .LBB1_6-.Ltmp1, $4  }
0x20: {  	s21 =	sadd.s32 $0x1, s14;
	s18 =	smov.u32 s12;
	_ =	swait.ge @!p1 [sflag:s17], $0x2000  }
0x21: {  	s16 =	smov.u32 s13;
	p0 =	por !p0, !p0;
	[sflag:s17] =	ssyncset.done @!p1 $0x0  }
0x22: {  	s15 =	smov.u32 s2;
	s12 =	smov.u32 s19;
	[sflag:s17] =	ssyncadd.s32 @!p1 $0xFFFFE000  }
0x23: {  	s17 =	smov.u32 s1;
	s14 =	smov.u32 s21;
	s13 =	smov.u32 s20  }
.LBB1_1:
0x24: {  	p1 =	sge.u32 s14, s7  }
0x25: {  	p2 =	sgt.s32 @!p1 s13, $0x2  }
0x26: {  	s19 =	smov.u32 s13;
	s21 =	smov.u32 s12;
	p2 =	por !p2, p1  }
0x27: {  	s20 =	sshra.s32 @!p1 s13, $0x1F;
	s19 =	simm.s32 @p2 $0x2;
	p2 =	sgt.s32 @!p1 s12, $0x70  }
0x28: {  	s22 =	sshra.s32 @!p1 s12, $0x1F;
	s20 =	sand.u32 @!p1 s20, s13;
	p2 =	por !p2, p1  }
0x29: {  	s22 =	sand.u32 @!p1 s22, s12;
	s19 =	ssub.s32 @!p1 s19, s20;
	s21 =	simm.s32 @p2 $0x70  }
0x2a: {  	s31 =	sadd.s32 $0xFFFFFFFF, s14;
	s20 =	ssub.s32 @!p1 s21, s22;
	s21 =	sadd.s32 @!p1 $0xFFFFFFFE, s19  }
0x2b: {  	s19 =	ssub.s32 @!p1 $0x3, s19;
	s22 =	sadd.s32 @!p1 $0xFFFFFF90, s20;
	p2 =	sgt.s32 @!p1 s21, $0x0  }
0x2c: {  	s19 =	smul.u32 @!p1 $0x1C40, s19;
	s20 =	ssub.s32 @!p1 $0x71, s20;
	p3 =	sgt.s32 @!p1 s22, $0x0  }
0x2d: {  	s21 =	smul.u32 @!p1 $0xC7840, s13;
	p2 =	por !p2, p1;
	p3 =	por !p3, p1  }
0x2e: {  	s22 =	smul.u32 @!p1 $0x1C40, s12;
	s19 =	simm.s32 @!p2 $0x0;
	s20 =	simm.s32 @!p3 $0x0  }
0x2f: {  	s21 =	sadd.s32 @!p1 s21, s8;
	s19 =	smul.u32 @!p1 s20, s19;
	s20 =	sxor.u32 @!p1 $0xFFFFFFFF, s14  }
0x30: {  	s23 =	simm.s32 @!p1 $0x100;
	s21 =	sadd.s32 @!p1 s22, s21;
	s20 =	sshll.u32 @!p1 s20, $0xD  }
0x31: {  	s22 =	simm.s32 @!p1 $0x40;
	s20 =	sand.u32 @!p1 $0x2000, s20;
	s19 =	sand.u32 @!p1 $0x3FFFFFC0, s19  }
0x32: {  	[tilespmem:s20], [sflag:$0x1] =	stream.strided.gather @!p1 [hbm4b:s21+s22], s19, s23, s22, $0x38;
	[tilespmem:$0x8080] =	vst v63  }
0x33: {  	p1 =	sge.u32 s31, s7  }
.Ltmp2:
0x34: {  	_ = 	snop;
	(pc) =	sbr.rel @p1 .LBB1_5-.Ltmp2, $1  }
0x35: {  	_ =	sdelay $0x3  }
0x36: {  	p1 =	sgt.s32 s16, $0x2;
	s19 =	smov.u32 s16  }
0x37: {  	s20 =	sshra.s32 s16, $0x1F;
	s21 =	smov.u32 s18;
	s22 =	sshra.s32 s18, $0x1F  }
0x38: {  	s19 =	simm.s32 @!p1 $0x2;
	s20 =	sand.u32 s20, s16;
	p1 =	sgt.s32 s18, $0x70  }
0x39: {  	s26 =	sand.u32 s22, s18;
	s19 =	ssub.s32 s19, s20;
	s21 =	simm.s32 @!p1 $0x70  }
0x3a: {  	s27 =	ssub.s32 $0x3, s19;
	s20 =	ssub.s32 s21, s26  }
0x3b: {  	s19 =	sadd.s32 $0xFFFFFFFE, s19;
	s21 =	sadd.s32 $0xFFFFFF90, s20;
	s22 =	smul.u32 $0x1C40, s27  }
0x3c: {  	p1 =	sgt.s32 s19, $0x0;
	s19 =	ssub.s32 $0x71, s20;
	p2 =	sgt.s32 s21, $0x0  }
0x3d: {  	s19 =	simm.s32 @p2 $0x0;
	s22 =	simm.s32 @p1 $0x0  }
0x3e: {  	s19 =	smul.u32 s19, s22;
	_ =	sdelay $0x1  }
0x3f: {  	s20 =	simm.s32 $0x1;
	s19 =	sand.u32 $0x3FFFFFC0, s19  }
0x40: {  	s20 =	simm.s32 @!p0 $0x0;
	_ =	swait.ge [sflag:s6], s19  }
0x41: {  	s28 =	sshll.u32 s20, $0xD;
	s19 =	ssub.s32 $0x0, s19;
	[sflag:s6] =	ssyncset.done $0x0  }
0x42: {  	s23 =	sor.u32 $0x20, s28;
	[sflag:s6] =	ssyncadd.s32 s19  }
0x43: {  	s29 =	smul.u32 $0x8100, s20;
	v3 =	vld [tilespmem:s23+$0x10]  }
0x44: {  	s30 =	sand.u32 $0x1, s14;
	v2 =	vld [tilespmem:s23+$0xFFFFFFF0]  }
0x45: {  	s20 =	smul.u32 $0x8100, s30;
	s19 =	sshrl.u32 s29, $0x2;
	v0 =	vld [tilespmem:s23+$0x0]  }
0x46: {  	s21 =	sor.u32 $0x4000, s19;
	v1 =	vld [tilespmem:s23+$0xFFFFFFE0]  }
0x47: {  	s31 =	sshrl.u32 s20, $0x2;
	s20 =	sadd.s32 $0x0, s21  }
0x48: {  	s22 =	simm.s32 $0x4;
	s19 =	sor.u32 $0x4000, s31;
	s23 =	sadd.s32 $0x40, s23;
	[tilespmem:s20+$0x1830 ss:$0x81] =	vst.msk $0xffff, v3  }
.LBB1_3:
0x49: {  	v3 =	vld [tilespmem:s23+$0x10];
	p1 =	sne.s32 s22, $0x1FC;
	[tilespmem:s20+$0x810 ss:$0x81] =	vst.msk $0xffff, v2;
	s24 =	smov.u32 s22;
	s22 =	sadd.s32 $0x4, s22  }
.Ltmp3:
0x4a: {  	v2 =	vld [tilespmem:s23+$0xFFFFFFF0];
	[tilespmem:s20+$0x1020 ss:$0x81] =	vst.msk $0xffff, v0;
	(pc) =	sbr.rel @p1 .LBB1_3-.Ltmp3, $4  }
0x4b: {  	v0 =	vld [tilespmem:s23+$0x0];
	[tilespmem:s20+$0x0 ss:$0x81] =	vst.msk $0xffff, v1  }
0x4c: {  	s20 =	sshra.s32 s24, $0x2;
	v1 =	vld [tilespmem:s23+$0xFFFFFFE0]  }
0x4d: {  	s20 =	sadd.s32 s20, s21  }
0x4e: {  	s23 =	sadd.s32 $0x40, s23;
	[tilespmem:s20+$0x1830 ss:$0x81] =	vst.msk $0xffff, v3  }
.Ltmp4:
0x4f: {  	_ = 	snop;
	(pc) =	sbr.rel .LBB1_4-.Ltmp4, $1  }
0x50: {  	_ =	sdelay $0x3  }
.LBB1_6:
0x51: {  	_ =	sfence.sel $0x180000  }
0x52: {  	s1 =	simm.s32 $0x1;
	[bflag:$0x0] =	sbarrier.arrive $0xFFFF  }
0x53: {  	s31 =	simm.s32 $0x2;
	[sflag:s1] =	ssyncpa.u1 $0x1  }
0x54: {  	[sflag:s31] =	ssyncpa.u1 $0x1  }
0x55: {  	p0 =	sne.s32 s0, $0x0;
	_ =	strace $0x9000004A  }
0x56: {  	s0 =	sadd.s32 @!p0 $0x100000, s4;
	[bflag:$0x2] =	sbarrier.arrive $0xFFFF  }
0x57: {  	[sflag:s0] =	ssyncadd.tile.s32 @!p0 $0x1;
	_ =	shalt  }
.Lfunc_end1:
_tile_overlayer_lowered:
.L_overlay_start_2:
0x58: {  	(tag) =	ssettag $0x2  }
0x59: {  	s0 =	rddreg [dreg:$0x0];
	s2 =	stileid.u32  }
0x5a: {  	s1 =	rddreg [dreg:$0x1];
	p0 =	sne.s32 s2, $0x0  }
0x5b: {  	s3 =	rddreg [dreg:$0x2];
	[bflag:$0x3] =	sbarrier.arrive $0xFFFF;
	s2 =	simm.s32 @!p0 $0x1C01  }
0x5c: {  	[timem:s3], [sflag:s2] =	dma.local @!p0 [hbm:s0], s1  }
0x5d: {  	s0 =	simm.s32 @!p0 $0x1  }
0x5e: {  	_ =	swait.ge @!p0 [sflag:s0], s1  }
0x5f: {  	s1 =	ssub.s32 @!p0 $0x0, s1;
	[sflag:s0] =	ssyncset.done @!p0 $0x0  }
0x60: {  	[sflag:s0] =	ssyncadd.s32 @!p0 s1  }
0x61: {  	[bflag:$0x3] =	sbarrier.arrive $0xFFFF  }
0x62: {  	_ =	shalt  }

</sc_bundles>
